<compile_context>
chip_gen: v7x
topology: tpu7x:2x2x1
jax: 0.10.2.dev20260603
libtpu: 0.0.44.dev20260713+nightly
codegen_flags: <defaults>
</compile_context>

<pallas_src>
import jax
import jax.numpy as jnp
from jax import lax
from jax.experimental import pallas as pl
from jax.experimental.pallas import tpu as pltpu
from jax.experimental.pallas import tpu_sc as plsc

_N = 10000
_E = 320000
_DIN = 128
_DHID = 256
_DOUT = 2

_NC, _NS = 2, 16
_NW = _NC * _NS
_K = 56
_CPT = 180
_D = 4
_EPAD = _NW * _CPT * _K
_NPAD = 10112
_RPT = _NPAD // _NS
_CW = 16

_mesh = plsc.VectorSubcoreMesh(
    core_axis_name="c", subcore_axis_name="s", num_cores=_NC, num_subcores=_NS
)


def _make_agg_body(width):

    def body_fn(tbl_hbm, srcp_hbm, dstp_hbm, zero_hbm, acc_out, *scratch):
        src_v, dst_v = scratch[0], scratch[1]
        rows = scratch[2:2 + _D]
        acc_sh = scratch[2 + _D]
        gsems = scratch[3 + _D:3 + 2 * _D]
        ssems = scratch[3 + 2 * _D:3 + 3 * _D]
        cid = lax.axis_index("c")
        sid = lax.axis_index("s")
        wid = cid * _NS + sid
        pltpu.sync_copy(srcp_hbm.at[wid], src_v)
        pltpu.sync_copy(dstp_hbm.at[wid], dst_v)
        r0 = sid * _RPT
        pltpu.sync_copy(zero_hbm, acc_sh.at[pl.ds(r0, _RPT)])
        plsc.subcore_barrier()

        def gather(j, u):
            pltpu.async_copy(tbl_hbm.at[src_v.at[j]], rows[u], gsems[u])

        def wait_gather(j, u):
            pltpu.make_async_copy(tbl_hbm.at[src_v.at[j]], rows[u], gsems[u]).wait()

        def scatter(j, u):
            pltpu.async_copy(rows[u], acc_sh.at[dst_v.at[j]], ssems[u], add=True)

        def wait_scatter(j, u):
            pltpu.make_async_copy(rows[u], acc_sh.at[dst_v.at[j]], ssems[u]).wait()

        for u in range(_D - 1):
            gather(u, u)

        def body(i, carry):
            base = _D * i
            for u in range(_D):
                j = base + u
                un = (u + _D - 1) % _D

                @pl.when(j + _D - 1 < _CPT)
                def _():
                    @pl.when(j >= 1)
                    def _():
                        wait_scatter(j - 1, un)

                    gather(j + _D - 1, un)

                wait_gather(j, u)
                scatter(j, u)
            return carry

        lax.fori_loop(0, _CPT // _D, body, 0)
        for j in range(_CPT - _D, _CPT):
            wait_scatter(j, j % _D)
        plsc.subcore_barrier()
        pltpu.sync_copy(acc_sh.at[pl.ds(r0, _RPT)], acc_out.at[cid, pl.ds(r0, _RPT)])

    return body_fn


def _make_agg_kernel(width, **extra):
    return pl.kernel(
        _make_agg_body(width),
        out_type=jax.ShapeDtypeStruct((_NC, _NPAD, width), jnp.float32),
        mesh=_mesh,
        scratch_types=(
            [
                pltpu.VMEM((_CPT, _K), jnp.int32),
                pltpu.VMEM((_CPT, _K), jnp.int32),
            ]
            + [pltpu.VMEM((_K, width), jnp.float32)] * _D
            + [pltpu.VMEM_SHARED((_NPAD, width), jnp.float32)]
            + [pltpu.SemaphoreType.DMA] * (2 * _D)
        ),
        **extra,
    )


_agg1 = _make_agg_kernel(
    _DIN, compiler_params=pltpu.CompilerParams(use_tc_tiling_on_sc=False)
)


def _cnt_body(dstp_hbm, zcnt_hbm, ones_hbm,
              cnt_out,
              dst_v, ones_v, cnt_sh, sem):
    cid = lax.axis_index("c")
    sid = lax.axis_index("s")
    wid = cid * _NS + sid
    pltpu.sync_copy(dstp_hbm.at[wid], dst_v)
    pltpu.sync_copy(ones_hbm, ones_v)
    r0 = sid * _RPT
    pltpu.sync_copy(zcnt_hbm, cnt_sh.at[pl.ds(r0, _RPT)])
    plsc.subcore_barrier()

    def body(j, carry):
        pltpu.async_copy(ones_v, cnt_sh.at[dst_v.at[j]], sem, add=True)
        return carry

    lax.fori_loop(0, _CPT, body, 0)

    def drain(j, carry):
        pltpu.make_async_copy(ones_v, cnt_sh.at[dst_v.at[j]], sem).wait()
        return carry

    lax.fori_loop(0, _CPT, drain, 0)
    plsc.subcore_barrier()
    pltpu.sync_copy(cnt_sh.at[pl.ds(r0, _RPT)], cnt_out.at[cid, pl.ds(r0, _RPT)])


_cnt = pl.kernel(
    _cnt_body,
    out_type=jax.ShapeDtypeStruct((_NC, _NPAD, _CW), jnp.float32),
    mesh=_mesh,
    compiler_params=pltpu.CompilerParams(use_tc_tiling_on_sc=False),
    scratch_types=[
        pltpu.VMEM((_CPT, _K), jnp.int32),
        pltpu.VMEM((_K, _CW), jnp.float32),
        pltpu.VMEM_SHARED((_NPAD, _CW), jnp.float32),
        pltpu.SemaphoreType.DMA,
    ],
)


_agg2 = _make_agg_kernel(
    _CW, compiler_params=pltpu.CompilerParams(use_tc_tiling_on_sc=False)
)

_R = 1000


def _dotT(a, b):
    return lax.dot_general(a, b, (((1,), (1,)), ((), ())),
                           preferred_element_type=jnp.float32,
                           precision=lax.Precision.HIGHEST)


def _tc1_body(x_ref, s0, s1, c0, c1, wl1, wr1, ws, bl1, bs, g1, b1, wl2p,
              x1_ref, y1_ref):
    cnt = jnp.maximum(c0[:, 0:1] + c1[:, 0:1], 1.0)
    h = (_dotT(s0[...] + s1[...], wl1[...]) / cnt
         + _dotT(x_ref[...], wr1[...] + ws[...])
         + bl1[...] + bs[...])
    mu = jnp.mean(h, axis=1, keepdims=True)
    var = jnp.mean((h - mu) ** 2, axis=1, keepdims=True)
    hn = (h - mu) / jnp.sqrt(var + 1e-5) * g1[...] + b1[...]
    x1 = jnp.where(hn > 0.0, hn, jnp.exp(jnp.minimum(hn, 0.0)) - 1.0)
    x1_ref[...] = x1
    y1_ref[...] = _dotT(x1, wl2p[...])


_tc1 = pl.pallas_call(
    _tc1_body,
    grid=(_N // _R,),
    in_specs=[
        pl.BlockSpec((_R, _DIN), lambda i: (i, 0)),
        pl.BlockSpec((_R, _DIN), lambda i: (i, 0)),
        pl.BlockSpec((_R, _DIN), lambda i: (i, 0)),
        pl.BlockSpec((_R, _CW), lambda i: (i, 0)),
        pl.BlockSpec((_R, _CW), lambda i: (i, 0)),
        pl.BlockSpec((_DHID, _DIN), lambda i: (0, 0)),
        pl.BlockSpec((_DHID, _DIN), lambda i: (0, 0)),
        pl.BlockSpec((_DHID, _DIN), lambda i: (0, 0)),
        pl.BlockSpec((1, _DHID), lambda i: (0, 0)),
        pl.BlockSpec((1, _DHID), lambda i: (0, 0)),
        pl.BlockSpec((1, _DHID), lambda i: (0, 0)),
        pl.BlockSpec((1, _DHID), lambda i: (0, 0)),
        pl.BlockSpec((_CW, _DHID), lambda i: (0, 0)),
    ],
    out_specs=[
        pl.BlockSpec((_R, _DHID), lambda i: (i, 0)),
        pl.BlockSpec((_R, _CW), lambda i: (i, 0)),
    ],
    out_shape=[
        jax.ShapeDtypeStruct((_N, _DHID), jnp.float32),
        jax.ShapeDtypeStruct((_N, _CW), jnp.float32),
    ],
)


def _tc2_body(x1_ref, a0, a1, c0, c1, wr2p, bl2p, o_ref):
    cnt = jnp.maximum(c0[:, 0:1] + c1[:, 0:1], 1.0)
    o_ref[...] = ((a0[...] + a1[...]) / cnt
                  + _dotT(x1_ref[...], wr2p[...]) + bl2p[...])


_tc2 = pl.pallas_call(
    _tc2_body,
    grid=(_N // _R,),
    in_specs=[
        pl.BlockSpec((_R, _DHID), lambda i: (i, 0)),
        pl.BlockSpec((_R, _CW), lambda i: (i, 0)),
        pl.BlockSpec((_R, _CW), lambda i: (i, 0)),
        pl.BlockSpec((_R, _CW), lambda i: (i, 0)),
        pl.BlockSpec((_R, _CW), lambda i: (i, 0)),
        pl.BlockSpec((_CW, _DHID), lambda i: (0, 0)),
        pl.BlockSpec((1, _CW), lambda i: (0, 0)),
    ],
    out_specs=pl.BlockSpec((_R, _CW), lambda i: (i, 0)),
    out_shape=jax.ShapeDtypeStruct((_N, _CW), jnp.float32),
)


def kernel(x, edge_index, Wl1, bl1, Wr1, Ws, bs, g1, b1, Wl2, bl2, Wr2):
    f32 = jnp.float32
    src = edge_index[0].astype(jnp.int32)
    dst = edge_index[1].astype(jnp.int32)
    pad = _EPAD - _E
    srcp = jnp.concatenate([src, jnp.zeros((pad,), jnp.int32)]).reshape(_NW, _CPT, _K)
    dummy = _N + jnp.arange(pad, dtype=jnp.int32) % (_NPAD - _N)
    dstp = jnp.concatenate([dst, dummy]).reshape(_NW, _CPT, _K)
    zrow = jnp.zeros((_RPT, _DIN), f32)
    zcnt = jnp.zeros((_RPT, _CW), f32)
    ones = jnp.zeros((_K, _CW), f32).at[:, 0].set(1.0)

    acc = _agg1(x, srcp, dstp, zrow)
    cnt = _cnt(dstp, zcnt, ones)

    wl2p = jnp.zeros((_CW, _DHID), f32).at[:_DOUT].set(Wl2)
    x1, y1p = _tc1(x, acc[0], acc[1], cnt[0], cnt[1], Wl1, Wr1, Ws,
                   bl1.reshape(1, -1), bs.reshape(1, -1),
                   g1.reshape(1, -1), b1.reshape(1, -1), wl2p)

    agg2 = _agg2(y1p, srcp, dstp, zcnt)

    wr2p = jnp.zeros((_CW, _DHID), f32).at[:_DOUT].set(Wr2)
    bl2p = jnp.zeros((1, _CW), f32).at[0, :_DOUT].set(bl2)
    out16 = _tc2(x1, agg2[0], agg2[1], cnt[0], cnt[1], wr2p, bl2p)
    return out16[:, :_DOUT]

# --- scband reference (transcript-rebuilt; emitter-appended) ---
"""Pipeline reference for scband-gene-sage-2680059593393 (READ-ONLY COPY).

The authoritative reference and input builder live on the scoring server;
editing this copy changes nothing except your own understanding.
"""

import jax, jax.numpy as jnp
import numpy as np

N_NODES = 10000
N_EDGES = 320000
D_IN = 128
D_HID = 256
D_OUT = 2


def setup_inputs(seed: int = 0) -> dict:
    key = jax.random.key(seed)
    ks = jax.random.split(key, 12)
    x = jax.random.normal(ks[0], (N_NODES, D_IN), dtype=jnp.float32)
    edge_index = jax.random.randint(ks[1], (2, N_EDGES), 0, N_NODES, dtype=jnp.int64)
    # SAGEConv1: lin_l (aggregated neighbors, bias=True), lin_r (root, bias=False)
    Wl1 = jax.random.normal(ks[2], (D_HID, D_IN), dtype=jnp.float32) * (1.0 / np.sqrt(D_IN))
    bl1 = jnp.zeros((D_HID,), dtype=jnp.float32)
    Wr1 = jax.random.normal(ks[3], (D_HID, D_IN), dtype=jnp.float32) * (1.0 / np.sqrt(D_IN))
    # skip linear
    Ws = jax.random.normal(ks[4], (D_HID, D_IN), dtype=jnp.float32) * (1.0 / np.sqrt(D_IN))
    bs = jnp.zeros((D_HID,), dtype=jnp.float32)
    # LayerNorm params
    g1 = jnp.ones((D_HID,), dtype=jnp.float32)
    b1 = jnp.zeros((D_HID,), dtype=jnp.float32)
    # SAGEConv2
    Wl2 = jax.random.normal(ks[5], (D_OUT, D_HID), dtype=jnp.float32) * (1.0 / np.sqrt(D_HID))
    bl2 = jnp.zeros((D_OUT,), dtype=jnp.float32)
    Wr2 = jax.random.normal(ks[6], (D_OUT, D_HID), dtype=jnp.float32) * (1.0 / np.sqrt(D_HID))
    return {"x": x, "edge_index": edge_index, "Wl1": Wl1, "bl1": bl1, "Wr1": Wr1,
            "Ws": Ws, "bs": bs, "g1": g1, "b1": b1, "Wl2": Wl2, "bl2": bl2, "Wr2": Wr2}


def _sage_conv(x, src, dst, Wl, bl, Wr, num_nodes):
    # PyG SAGEConv with mean aggregation:
    # out = lin_l(mean_{j in N(i)} x_j) + lin_r(x_i)
    msgs = jnp.take(x, src, axis=0)
    summed = jax.ops.segment_sum(msgs, dst, num_segments=num_nodes)
    counts = jax.ops.segment_sum(jnp.ones((src.shape[0],), dtype=x.dtype), dst, num_segments=num_nodes)
    mean = summed / jnp.clip(counts, 1.0, None)[:, None]
    return mean @ Wl.T + bl + x @ Wr.T


def _layer_norm(x, g, b, eps=1e-5):
    mu = jnp.mean(x, axis=-1, keepdims=True)
    var = jnp.mean((x - mu) ** 2, axis=-1, keepdims=True)
    return (x - mu) / jnp.sqrt(var + eps) * g + b


def _elu(x):
    return jnp.where(x > 0, x, jnp.expm1(x))


def reference(x, edge_index, Wl1, bl1, Wr1, Ws, bs, g1, b1, Wl2, bl2, Wr2):
    num_nodes = x.shape[0]
    src = edge_index[0]
    dst = edge_index[1]
    x1 = _sage_conv(x, src, dst, Wl1, bl1, Wr1, num_nodes) + (x @ Ws.T + bs)
    x1 = _elu(_layer_norm(x1, g1, b1))
    out = _sage_conv(x1, src, dst, Wl2, bl2, Wr2, num_nodes)
    return out

if __name__ == "__main__":
    import jax
    _d = setup_inputs()
    print(jax.jit(kernel)(*tuple(_d.values())))

</pallas_src>

<mosaic_0001>
#map = affine_map<(d0, d1) -> (0, 0)>
#map1 = affine_map<(d0, d1) -> (0, 0, 0)>
module attributes {stable_mosaic.version = 14 : i64} {
  func.func @body_fn(%arg0: i32, %arg1: i32, %arg2: memref<10000x128xf32, #tpu.memory_space<hbm>>, %arg3: memref<32x180x56xi32, #tpu.memory_space<hbm>>, %arg4: memref<32x180x56xi32, #tpu.memory_space<hbm>>, %arg5: memref<632x128xf32, #tpu.memory_space<hbm>>, %arg6: memref<2x10112x128xf32, #tpu.memory_space<hbm>>, %arg7: memref<180x56xi32, #tpu.memory_space<vmem>>, %arg8: memref<180x56xi32, #tpu.memory_space<vmem>>, %arg9: memref<56x128xf32, #tpu.memory_space<vmem>>, %arg10: memref<56x128xf32, #tpu.memory_space<vmem>>, %arg11: memref<56x128xf32, #tpu.memory_space<vmem>>, %arg12: memref<56x128xf32, #tpu.memory_space<vmem>>, %arg13: memref<10112x128xf32, #tpu.memory_space<vmem_shared>>, %arg14: memref<!tpu.dma_semaphore, #tpu.memory_space<semaphore_mem>>, %arg15: memref<!tpu.dma_semaphore, #tpu.memory_space<semaphore_mem>>, %arg16: memref<!tpu.dma_semaphore, #tpu.memory_space<semaphore_mem>>, %arg17: memref<!tpu.dma_semaphore, #tpu.memory_space<semaphore_mem>>, %arg18: memref<!tpu.dma_semaphore, #tpu.memory_space<semaphore_mem>>, %arg19: memref<!tpu.dma_semaphore, #tpu.memory_space<semaphore_mem>>, %arg20: memref<!tpu.dma_semaphore, #tpu.memory_space<semaphore_mem>>, %arg21: memref<!tpu.dma_semaphore, #tpu.memory_space<semaphore_mem>>) attributes {dimension_semantics = [#tpu.dimension_semantics<core_parallel>, #tpu.dimension_semantics<subcore_parallel>], iteration_bounds = array<i64: 2, 16>, scalar_prefetch = 0 : i64, scratch_operands = 15 : i64, tpu.core_type = #tpu.core_type<sc_vector_subcore>, window_params = [{transform_indices = #map}, {transform_indices = #map1}, {transform_indices = #map1}, {transform_indices = #map}, {transform_indices = #map1}]} {
    %mul3A = arith.constant 16 : i32
    %mul3A_0 = arith.muli %arg0, %mul3A : i32
    %add3A = arith.addi %mul3A_0, %arg1 : i32
    "tpu.region"() ({
      %run_scoped3A = tpu.sem_alloc : memref<!tpu.dma_semaphore, #tpu.memory_space<semaphore_mem>>
      %dma_start3A_56 = arith.constant 0 : i32
      %dma_start3A_57 = arith.constant 0 : i32
      %dma_start3A_58 = tpu.memref_slice %arg3[%add3A, %dma_start3A_56, %dma_start3A_57] : memref<32x180x56xi32, #tpu.memory_space<hbm>> -> memref<1x180x56xi32, #tpu.memory_space<hbm>>
      %dma_start3A_59 = tpu.memref_squeeze %dma_start3A_58 : memref<1x180x56xi32, #tpu.memory_space<hbm>> -> memref<180x56xi32, #tpu.memory_space<hbm>>
      %dma_start3A_60 = arith.constant 0 : i32
      %dma_start3A_61 = arith.constant 0 : i32
      %dma_start3A_62 = tpu.memref_slice %arg3[%add3A, %dma_start3A_60, %dma_start3A_61] : memref<32x180x56xi32, #tpu.memory_space<hbm>> -> memref<1x180x56xi32, #tpu.memory_space<hbm>>
      %dma_start3A_63 = tpu.memref_squeeze %dma_start3A_62 : memref<1x180x56xi32, #tpu.memory_space<hbm>> -> memref<180x56xi32, #tpu.memory_space<hbm>>
      tpu.enqueue_dma source(%dma_start3A_63 : memref<180x56xi32, #tpu.memory_space<hbm>>) target(%arg7 : memref<180x56xi32, #tpu.memory_space<vmem>>) target_semaphore(%run_scoped3A : memref<!tpu.dma_semaphore, #tpu.memory_space<semaphore_mem>>)
      %dma_wait3A_64 = arith.constant 0 : i32
      %dma_wait3A_65 = arith.constant 0 : i32
      %dma_wait3A_66 = tpu.memref_slice %arg3[%add3A, %dma_wait3A_64, %dma_wait3A_65] : memref<32x180x56xi32, #tpu.memory_space<hbm>> -> memref<1x180x56xi32, #tpu.memory_space<hbm>>
      %dma_wait3A_67 = tpu.memref_squeeze %dma_wait3A_66 : memref<1x180x56xi32, #tpu.memory_space<hbm>> -> memref<180x56xi32, #tpu.memory_space<hbm>>
      %dma_wait3A_68 = arith.constant 0 : i32
      %dma_wait3A_69 = arith.constant 0 : i32
      %dma_wait3A_70 = tpu.memref_slice %arg3[%add3A, %dma_wait3A_68, %dma_wait3A_69] : memref<32x180x56xi32, #tpu.memory_space<hbm>> -> memref<1x180x56xi32, #tpu.memory_space<hbm>>
      %dma_wait3A_71 = tpu.memref_squeeze %dma_wait3A_70 : memref<1x180x56xi32, #tpu.memory_space<hbm>> -> memref<180x56xi32, #tpu.memory_space<hbm>>
      tpu.wait_dma2 semaphore(%run_scoped3A : memref<!tpu.dma_semaphore, #tpu.memory_space<semaphore_mem>>) src(%dma_wait3A_71 : memref<180x56xi32, #tpu.memory_space<hbm>>) dst(%arg7 : memref<180x56xi32, #tpu.memory_space<vmem>>)
      tpu.yield
    }) : () -> ()
    "tpu.region"() ({
      %run_scoped3A = tpu.sem_alloc : memref<!tpu.dma_semaphore, #tpu.memory_space<semaphore_mem>>
      %dma_start3A_56 = arith.constant 0 : i32
      %dma_start3A_57 = arith.constant 0 : i32
      %dma_start3A_58 = tpu.memref_slice %arg4[%add3A, %dma_start3A_56, %dma_start3A_57] : memref<32x180x56xi32, #tpu.memory_space<hbm>> -> memref<1x180x56xi32, #tpu.memory_space<hbm>>
      %dma_start3A_59 = tpu.memref_squeeze %dma_start3A_58 : memref<1x180x56xi32, #tpu.memory_space<hbm>> -> memref<180x56xi32, #tpu.memory_space<hbm>>
      %dma_start3A_60 = arith.constant 0 : i32
      %dma_start3A_61 = arith.constant 0 : i32
      %dma_start3A_62 = tpu.memref_slice %arg4[%add3A, %dma_start3A_60, %dma_start3A_61] : memref<32x180x56xi32, #tpu.memory_space<hbm>> -> memref<1x180x56xi32, #tpu.memory_space<hbm>>
      %dma_start3A_63 = tpu.memref_squeeze %dma_start3A_62 : memref<1x180x56xi32, #tpu.memory_space<hbm>> -> memref<180x56xi32, #tpu.memory_space<hbm>>
      tpu.enqueue_dma source(%dma_start3A_63 : memref<180x56xi32, #tpu.memory_space<hbm>>) target(%arg8 : memref<180x56xi32, #tpu.memory_space<vmem>>) target_semaphore(%run_scoped3A : memref<!tpu.dma_semaphore, #tpu.memory_space<semaphore_mem>>)
      %dma_wait3A_64 = arith.constant 0 : i32
      %dma_wait3A_65 = arith.constant 0 : i32
      %dma_wait3A_66 = tpu.memref_slice %arg4[%add3A, %dma_wait3A_64, %dma_wait3A_65] : memref<32x180x56xi32, #tpu.memory_space<hbm>> -> memref<1x180x56xi32, #tpu.memory_space<hbm>>
      %dma_wait3A_67 = tpu.memref_squeeze %dma_wait3A_66 : memref<1x180x56xi32, #tpu.memory_space<hbm>> -> memref<180x56xi32, #tpu.memory_space<hbm>>
      %dma_wait3A_68 = arith.constant 0 : i32
      %dma_wait3A_69 = arith.constant 0 : i32
      %dma_wait3A_70 = tpu.memref_slice %arg4[%add3A, %dma_wait3A_68, %dma_wait3A_69] : memref<32x180x56xi32, #tpu.memory_space<hbm>> -> memref<1x180x56xi32, #tpu.memory_space<hbm>>
      %dma_wait3A_71 = tpu.memref_squeeze %dma_wait3A_70 : memref<1x180x56xi32, #tpu.memory_space<hbm>> -> memref<180x56xi32, #tpu.memory_space<hbm>>
      tpu.wait_dma2 semaphore(%run_scoped3A : memref<!tpu.dma_semaphore, #tpu.memory_space<semaphore_mem>>) src(%dma_wait3A_71 : memref<180x56xi32, #tpu.memory_space<hbm>>) dst(%arg8 : memref<180x56xi32, #tpu.memory_space<vmem>>)
      tpu.yield
    }) : () -> ()
    %mul3A_1 = arith.constant 632 : i32
    %mul3A_2 = arith.muli %arg1, %mul3A_1 : i32
    "tpu.region"() ({
      %run_scoped3A = tpu.sem_alloc : memref<!tpu.dma_semaphore, #tpu.memory_space<semaphore_mem>>
      %dma_start3A_56 = arith.constant 0 : i32
      %dma_start3A_57 = tpu.memref_slice %arg13[%mul3A_2, %dma_start3A_56] : memref<10112x128xf32, #tpu.memory_space<vmem_shared>> -> memref<632x128xf32, #tpu.memory_space<vmem_shared>>
      tpu.enqueue_dma source(%arg5 : memref<632x128xf32, #tpu.memory_space<hbm>>) target(%dma_start3A_57 : memref<632x128xf32, #tpu.memory_space<vmem_shared>>) target_semaphore(%run_scoped3A : memref<!tpu.dma_semaphore, #tpu.memory_space<semaphore_mem>>)
      %dma_wait3A_58 = arith.constant 0 : i32
      %dma_wait3A_59 = tpu.memref_slice %arg13[%mul3A_2, %dma_wait3A_58] : memref<10112x128xf32, #tpu.memory_space<vmem_shared>> -> memref<632x128xf32, #tpu.memory_space<vmem_shared>>
      tpu.wait_dma2 semaphore(%run_scoped3A : memref<!tpu.dma_semaphore, #tpu.memory_space<semaphore_mem>>) src(%arg5 : memref<632x128xf32, #tpu.memory_space<hbm>>) dst(%dma_wait3A_59 : memref<632x128xf32, #tpu.memory_space<vmem_shared>>)
      tpu.yield
    }) : () -> ()
    %barrier3A = arith.constant 0 : index
    tpu.barrier barrier_id(%barrier3A)
    %dma_start3A = arith.constant 0 : i32
    %dma_start3A_3 = arith.constant 0 : i32
    %dma_start3A_4 = tpu.memref_slice %arg7[%dma_start3A, %dma_start3A_3] : memref<180x56xi32, #tpu.memory_space<vmem>> -> memref<1x56xi32, #tpu.memory_space<vmem>>
    %dma_start3A_5 = tpu.memref_squeeze %dma_start3A_4 : memref<1x56xi32, #tpu.memory_space<vmem>> -> memref<56xi32, #tpu.memory_space<vmem>>
    %dma_start3A_6 = arith.constant 0 : i32
    %dma_start3A_7 = arith.constant 0 : i32
    %dma_start3A_8 = tpu.memref_slice %arg2[%dma_start3A_6, %dma_start3A_7] : memref<10000x128xf32, #tpu.memory_space<hbm>> -> memref<10000x128xf32, #tpu.memory_space<hbm>>
    tpu.enqueue_indirect_dma source(%dma_start3A_8 : memref<10000x128xf32, #tpu.memory_space<hbm>>) target(%arg9 : memref<56x128xf32, #tpu.memory_space<vmem>>) offsets(%dma_start3A_5 : memref<56xi32, #tpu.memory_space<vmem>>) semaphore(%arg14 : memref<!tpu.dma_semaphore, #tpu.memory_space<semaphore_mem>>)
    %dma_start3A_9 = arith.constant 1 : i32
    %dma_start3A_10 = arith.constant 0 : i32
    %dma_start3A_11 = tpu.memref_slice %arg7[%dma_start3A_9, %dma_start3A_10] : memref<180x56xi32, #tpu.memory_space<vmem>> -> memref<1x56xi32, #tpu.memory_space<vmem>>
    %dma_start3A_12 = tpu.memref_squeeze %dma_start3A_11 : memref<1x56xi32, #tpu.memory_space<vmem>> -> memref<56xi32, #tpu.memory_space<vmem>>
    %dma_start3A_13 = arith.constant 0 : i32
    %dma_start3A_14 = arith.constant 0 : i32
    %dma_start3A_15 = tpu.memref_slice %arg2[%dma_start3A_13, %dma_start3A_14] : memref<10000x128xf32, #tpu.memory_space<hbm>> -> memref<10000x128xf32, #tpu.memory_space<hbm>>
    tpu.enqueue_indirect_dma source(%dma_start3A_15 : memref<10000x128xf32, #tpu.memory_space<hbm>>) target(%arg10 : memref<56x128xf32, #tpu.memory_space<vmem>>) offsets(%dma_start3A_12 : memref<56xi32, #tpu.memory_space<vmem>>) semaphore(%arg15 : memref<!tpu.dma_semaphore, #tpu.memory_space<semaphore_mem>>)
    %dma_start3A_16 = arith.constant 2 : i32
    %dma_start3A_17 = arith.constant 0 : i32
    %dma_start3A_18 = tpu.memref_slice %arg7[%dma_start3A_16, %dma_start3A_17] : memref<180x56xi32, #tpu.memory_space<vmem>> -> memref<1x56xi32, #tpu.memory_space<vmem>>
    %dma_start3A_19 = tpu.memref_squeeze %dma_start3A_18 : memref<1x56xi32, #tpu.memory_space<vmem>> -> memref<56xi32, #tpu.memory_space<vmem>>
    %dma_start3A_20 = arith.constant 0 : i32
    %dma_start3A_21 = arith.constant 0 : i32
    %dma_start3A_22 = tpu.memref_slice %arg2[%dma_start3A_20, %dma_start3A_21] : memref<10000x128xf32, #tpu.memory_space<hbm>> -> memref<10000x128xf32, #tpu.memory_space<hbm>>
    tpu.enqueue_indirect_dma source(%dma_start3A_22 : memref<10000x128xf32, #tpu.memory_space<hbm>>) target(%arg11 : memref<56x128xf32, #tpu.memory_space<vmem>>) offsets(%dma_start3A_19 : memref<56xi32, #tpu.memory_space<vmem>>) semaphore(%arg16 : memref<!tpu.dma_semaphore, #tpu.memory_space<semaphore_mem>>)
    %scan3A = arith.constant 0 : i32
    %scan3A_23 = arith.constant 0 : i32
    %scan3A_24 = arith.constant 45 : i32
    %scan3A_25 = arith.addi %scan3A_23, %scan3A_24 : i32
    %scan3A_26 = arith.constant 1 : i32
    scf.for %scan3A_56 = %scan3A_23 to %scan3A_25 step %scan3A_26  : i32 {
      %mul3A_57 = arith.constant 4 : i32
      %mul3A_58 = arith.muli %mul3A_57, %scan3A_56 : i32
      %add3A_59 = arith.constant 0 : i32
      %add3A_60 = arith.addi %mul3A_58, %add3A_59 : i32
      %add3A_61 = arith.constant 4 : i32
      %add3A_62 = arith.addi %add3A_60, %add3A_61 : i32
      %sub3A = arith.constant 1 : i32
      %sub3A_63 = arith.subi %add3A_62, %sub3A : i32
      %lt3A = arith.constant 180 : i32
      %lt3A_64 = arith.cmpi slt, %sub3A_63, %lt3A : i32
      %convert_element_type3A = arith.extui %lt3A_64 : i1 to i32
      %cond3A = arith.constant 0 : i32
      %cond3A_65 = arith.cmpi ne, %convert_element_type3A, %cond3A : i32
      scf.if %cond3A_65 {
        %ge3A = arith.constant 1 : i32
        %ge3A_147 = arith.cmpi sge, %add3A_60, %ge3A : i32
        %convert_element_type3A_148 = arith.extui %ge3A_147 : i1 to i32
        %cond3A_149 = arith.constant 0 : i32
        %cond3A_150 = arith.cmpi ne, %convert_element_type3A_148, %cond3A_149 : i32
        scf.if %cond3A_150 {
          %sub3A_161 = arith.constant 1 : i32
          %sub3A_162 = arith.subi %add3A_60, %sub3A_161 : i32
          %dma_wait3A_163 = arith.constant 0 : i32
          %dma_wait3A_164 = tpu.memref_slice %arg8[%sub3A_162, %dma_wait3A_163] : memref<180x56xi32, #tpu.memory_space<vmem>> -> memref<1x56xi32, #tpu.memory_space<vmem>>
          %dma_wait3A_165 = tpu.memref_squeeze %dma_wait3A_164 : memref<1x56xi32, #tpu.memory_space<vmem>> -> memref<56xi32, #tpu.memory_space<vmem>>
          %dma_wait3A_166 = arith.constant 0 : i32
          %dma_wait3A_167 = arith.constant 0 : i32
          %dma_wait3A_168 = tpu.memref_slice %arg13[%dma_wait3A_166, %dma_wait3A_167] : memref<10112x128xf32, #tpu.memory_space<vmem_shared>> -> memref<10112x128xf32, #tpu.memory_space<vmem_shared>>
          tpu.wait_indirect_dma semaphore(%arg21 : memref<!tpu.dma_semaphore, #tpu.memory_space<semaphore_mem>>) src(%arg12 : memref<56x128xf32, #tpu.memory_space<vmem>>) dst(%dma_wait3A_168 : memref<10112x128xf32, #tpu.memory_space<vmem_shared>>)
        } else {
        }
        %add3A_151 = arith.constant 4 : i32
        %add3A_152 = arith.addi %add3A_60, %add3A_151 : i32
        %sub3A_153 = arith.constant 1 : i32
        %sub3A_154 = arith.subi %add3A_152, %sub3A_153 : i32
        %dma_start3A_155 = arith.constant 0 : i32
        %dma_start3A_156 = tpu.memref_slice %arg7[%sub3A_154, %dma_start3A_155] : memref<180x56xi32, #tpu.memory_space<vmem>> -> memref<1x56xi32, #tpu.memory_space<vmem>>
        %dma_start3A_157 = tpu.memref_squeeze %dma_start3A_156 : memref<1x56xi32, #tpu.memory_space<vmem>> -> memref<56xi32, #tpu.memory_space<vmem>>
        %dma_start3A_158 = arith.constant 0 : i32
        %dma_start3A_159 = arith.constant 0 : i32
        %dma_start3A_160 = tpu.memref_slice %arg2[%dma_start3A_158, %dma_start3A_159] : memref<10000x128xf32, #tpu.memory_space<hbm>> -> memref<10000x128xf32, #tpu.memory_space<hbm>>
        tpu.enqueue_indirect_dma source(%dma_start3A_160 : memref<10000x128xf32, #tpu.memory_space<hbm>>) target(%arg12 : memref<56x128xf32, #tpu.memory_space<vmem>>) offsets(%dma_start3A_157 : memref<56xi32, #tpu.memory_space<vmem>>) semaphore(%arg17 : memref<!tpu.dma_semaphore, #tpu.memory_space<semaphore_mem>>)
      } else {
      }
      %dma_wait3A_66 = arith.constant 0 : i32
      %dma_wait3A_67 = tpu.memref_slice %arg7[%add3A_60, %dma_wait3A_66] : memref<180x56xi32, #tpu.memory_space<vmem>> -> memref<1x56xi32, #tpu.memory_space<vmem>>
      %dma_wait3A_68 = tpu.memref_squeeze %dma_wait3A_67 : memref<1x56xi32, #tpu.memory_space<vmem>> -> memref<56xi32, #tpu.memory_space<vmem>>
      %dma_wait3A_69 = arith.constant 0 : i32
      %dma_wait3A_70 = arith.constant 0 : i32
      %dma_wait3A_71 = tpu.memref_slice %arg2[%dma_wait3A_69, %dma_wait3A_70] : memref<10000x128xf32, #tpu.memory_space<hbm>> -> memref<10000x128xf32, #tpu.memory_space<hbm>>
      tpu.wait_indirect_dma semaphore(%arg14 : memref<!tpu.dma_semaphore, #tpu.memory_space<semaphore_mem>>) src(%dma_wait3A_71 : memref<10000x128xf32, #tpu.memory_space<hbm>>) dst(%arg9 : memref<56x128xf32, #tpu.memory_space<vmem>>)
      %dma_start3A_72 = arith.constant 0 : i32
      %dma_start3A_73 = tpu.memref_slice %arg8[%add3A_60, %dma_start3A_72] : memref<180x56xi32, #tpu.memory_space<vmem>> -> memref<1x56xi32, #tpu.memory_space<vmem>>
      %dma_start3A_74 = tpu.memref_squeeze %dma_start3A_73 : memref<1x56xi32, #tpu.memory_space<vmem>> -> memref<56xi32, #tpu.memory_space<vmem>>
      %dma_start3A_75 = arith.constant 0 : i32
      %dma_start3A_76 = arith.constant 0 : i32
      %dma_start3A_77 = tpu.memref_slice %arg13[%dma_start3A_75, %dma_start3A_76] : memref<10112x128xf32, #tpu.memory_space<vmem_shared>> -> memref<10112x128xf32, #tpu.memory_space<vmem_shared>>
      tpu.enqueue_indirect_dma source(%arg9 : memref<56x128xf32, #tpu.memory_space<vmem>>) target(%dma_start3A_77 : memref<10112x128xf32, #tpu.memory_space<vmem_shared>>) offsets(%dma_start3A_74 : memref<56xi32, #tpu.memory_space<vmem>>) semaphore(%arg18 : memref<!tpu.dma_semaphore, #tpu.memory_space<semaphore_mem>>) {add = true}
      %add3A_78 = arith.constant 1 : i32
      %add3A_79 = arith.addi %mul3A_58, %add3A_78 : i32
      %add3A_80 = arith.constant 4 : i32
      %add3A_81 = arith.addi %add3A_79, %add3A_80 : i32
      %sub3A_82 = arith.constant 1 : i32
      %sub3A_83 = arith.subi %add3A_81, %sub3A_82 : i32
      %lt3A_84 = arith.constant 180 : i32
      %lt3A_85 = arith.cmpi slt, %sub3A_83, %lt3A_84 : i32
      %convert_element_type3A_86 = arith.extui %lt3A_85 : i1 to i32
      %cond3A_87 = arith.constant 0 : i32
      %cond3A_88 = arith.cmpi ne, %convert_element_type3A_86, %cond3A_87 : i32
      scf.if %cond3A_88 {
        %ge3A = arith.constant 1 : i32
        %ge3A_147 = arith.cmpi sge, %add3A_79, %ge3A : i32
        %convert_element_type3A_148 = arith.extui %ge3A_147 : i1 to i32
        %cond3A_149 = arith.constant 0 : i32
        %cond3A_150 = arith.cmpi ne, %convert_element_type3A_148, %cond3A_149 : i32
        scf.if %cond3A_150 {
          %sub3A_161 = arith.constant 1 : i32
          %sub3A_162 = arith.subi %add3A_79, %sub3A_161 : i32
          %dma_wait3A_163 = arith.constant 0 : i32
          %dma_wait3A_164 = tpu.memref_slice %arg8[%sub3A_162, %dma_wait3A_163] : memref<180x56xi32, #tpu.memory_space<vmem>> -> memref<1x56xi32, #tpu.memory_space<vmem>>
          %dma_wait3A_165 = tpu.memref_squeeze %dma_wait3A_164 : memref<1x56xi32, #tpu.memory_space<vmem>> -> memref<56xi32, #tpu.memory_space<vmem>>
          %dma_wait3A_166 = arith.constant 0 : i32
          %dma_wait3A_167 = arith.constant 0 : i32
          %dma_wait3A_168 = tpu.memref_slice %arg13[%dma_wait3A_166, %dma_wait3A_167] : memref<10112x128xf32, #tpu.memory_space<vmem_shared>> -> memref<10112x128xf32, #tpu.memory_space<vmem_shared>>
          tpu.wait_indirect_dma semaphore(%arg18 : memref<!tpu.dma_semaphore, #tpu.memory_space<semaphore_mem>>) src(%arg9 : memref<56x128xf32, #tpu.memory_space<vmem>>) dst(%dma_wait3A_168 : memref<10112x128xf32, #tpu.memory_space<vmem_shared>>)
        } else {
        }
        %add3A_151 = arith.constant 4 : i32
        %add3A_152 = arith.addi %add3A_79, %add3A_151 : i32
        %sub3A_153 = arith.constant 1 : i32
        %sub3A_154 = arith.subi %add3A_152, %sub3A_153 : i32
        %dma_start3A_155 = arith.constant 0 : i32
        %dma_start3A_156 = tpu.memref_slice %arg7[%sub3A_154, %dma_start3A_155] : memref<180x56xi32, #tpu.memory_space<vmem>> -> memref<1x56xi32, #tpu.memory_space<vmem>>
        %dma_start3A_157 = tpu.memref_squeeze %dma_start3A_156 : memref<1x56xi32, #tpu.memory_space<vmem>> -> memref<56xi32, #tpu.memory_space<vmem>>
        %dma_start3A_158 = arith.constant 0 : i32
        %dma_start3A_159 = arith.constant 0 : i32
        %dma_start3A_160 = tpu.memref_slice %arg2[%dma_start3A_158, %dma_start3A_159] : memref<10000x128xf32, #tpu.memory_space<hbm>> -> memref<10000x128xf32, #tpu.memory_space<hbm>>
        tpu.enqueue_indirect_dma source(%dma_start3A_160 : memref<10000x128xf32, #tpu.memory_space<hbm>>) target(%arg9 : memref<56x128xf32, #tpu.memory_space<vmem>>) offsets(%dma_start3A_157 : memref<56xi32, #tpu.memory_space<vmem>>) semaphore(%arg14 : memref<!tpu.dma_semaphore, #tpu.memory_space<semaphore_mem>>)
      } else {
      }
      %dma_wait3A_89 = arith.constant 0 : i32
      %dma_wait3A_90 = tpu.memref_slice %arg7[%add3A_79, %dma_wait3A_89] : memref<180x56xi32, #tpu.memory_space<vmem>> -> memref<1x56xi32, #tpu.memory_space<vmem>>
      %dma_wait3A_91 = tpu.memref_squeeze %dma_wait3A_90 : memref<1x56xi32, #tpu.memory_space<vmem>> -> memref<56xi32, #tpu.memory_space<vmem>>
      %dma_wait3A_92 = arith.constant 0 : i32
      %dma_wait3A_93 = arith.constant 0 : i32
      %dma_wait3A_94 = tpu.memref_slice %arg2[%dma_wait3A_92, %dma_wait3A_93] : memref<10000x128xf32, #tpu.memory_space<hbm>> -> memref<10000x128xf32, #tpu.memory_space<hbm>>
      tpu.wait_indirect_dma semaphore(%arg15 : memref<!tpu.dma_semaphore, #tpu.memory_space<semaphore_mem>>) src(%dma_wait3A_94 : memref<10000x128xf32, #tpu.memory_space<hbm>>) dst(%arg10 : memref<56x128xf32, #tpu.memory_space<vmem>>)
      %dma_start3A_95 = arith.constant 0 : i32
      %dma_start3A_96 = tpu.memref_slice %arg8[%add3A_79, %dma_start3A_95] : memref<180x56xi32, #tpu.memory_space<vmem>> -> memref<1x56xi32, #tpu.memory_space<vmem>>
      %dma_start3A_97 = tpu.memref_squeeze %dma_start3A_96 : memref<1x56xi32, #tpu.memory_space<vmem>> -> memref<56xi32, #tpu.memory_space<vmem>>
      %dma_start3A_98 = arith.constant 0 : i32
      %dma_start3A_99 = arith.constant 0 : i32
      %dma_start3A_100 = tpu.memref_slice %arg13[%dma_start3A_98, %dma_start3A_99] : memref<10112x128xf32, #tpu.memory_space<vmem_shared>> -> memref<10112x128xf32, #tpu.memory_space<vmem_shared>>
      tpu.enqueue_indirect_dma source(%arg10 : memref<56x128xf32, #tpu.memory_space<vmem>>) target(%dma_start3A_100 : memref<10112x128xf32, #tpu.memory_space<vmem_shared>>) offsets(%dma_start3A_97 : memref<56xi32, #tpu.memory_space<vmem>>) semaphore(%arg19 : memref<!tpu.dma_semaphore, #tpu.memory_space<semaphore_mem>>) {add = true}
      %add3A_101 = arith.constant 2 : i32
      %add3A_102 = arith.addi %mul3A_58, %add3A_101 : i32
      %add3A_103 = arith.constant 4 : i32
      %add3A_104 = arith.addi %add3A_102, %add3A_103 : i32
      %sub3A_105 = arith.constant 1 : i32
      %sub3A_106 = arith.subi %add3A_104, %sub3A_105 : i32
      %lt3A_107 = arith.constant 180 : i32
      %lt3A_108 = arith.cmpi slt, %sub3A_106, %lt3A_107 : i32
      %convert_element_type3A_109 = arith.extui %lt3A_108 : i1 to i32
      %cond3A_110 = arith.constant 0 : i32
      %cond3A_111 = arith.cmpi ne, %convert_element_type3A_109, %cond3A_110 : i32
      scf.if %cond3A_111 {
        %ge3A = arith.constant 1 : i32
        %ge3A_147 = arith.cmpi sge, %add3A_102, %ge3A : i32
        %convert_element_type3A_148 = arith.extui %ge3A_147 : i1 to i32
        %cond3A_149 = arith.constant 0 : i32
        %cond3A_150 = arith.cmpi ne, %convert_element_type3A_148, %cond3A_149 : i32
        scf.if %cond3A_150 {
          %sub3A_161 = arith.constant 1 : i32
          %sub3A_162 = arith.subi %add3A_102, %sub3A_161 : i32
          %dma_wait3A_163 = arith.constant 0 : i32
          %dma_wait3A_164 = tpu.memref_slice %arg8[%sub3A_162, %dma_wait3A_163] : memref<180x56xi32, #tpu.memory_space<vmem>> -> memref<1x56xi32, #tpu.memory_space<vmem>>
          %dma_wait3A_165 = tpu.memref_squeeze %dma_wait3A_164 : memref<1x56xi32, #tpu.memory_space<vmem>> -> memref<56xi32, #tpu.memory_space<vmem>>
          %dma_wait3A_166 = arith.constant 0 : i32
          %dma_wait3A_167 = arith.constant 0 : i32
          %dma_wait3A_168 = tpu.memref_slice %arg13[%dma_wait3A_166, %dma_wait3A_167] : memref<10112x128xf32, #tpu.memory_space<vmem_shared>> -> memref<10112x128xf32, #tpu.memory_space<vmem_shared>>
          tpu.wait_indirect_dma semaphore(%arg19 : memref<!tpu.dma_semaphore, #tpu.memory_space<semaphore_mem>>) src(%arg10 : memref<56x128xf32, #tpu.memory_space<vmem>>) dst(%dma_wait3A_168 : memref<10112x128xf32, #tpu.memory_space<vmem_shared>>)
        } else {
        }
        %add3A_151 = arith.constant 4 : i32
        %add3A_152 = arith.addi %add3A_102, %add3A_151 : i32
        %sub3A_153 = arith.constant 1 : i32
        %sub3A_154 = arith.subi %add3A_152, %sub3A_153 : i32
        %dma_start3A_155 = arith.constant 0 : i32
        %dma_start3A_156 = tpu.memref_slice %arg7[%sub3A_154, %dma_start3A_155] : memref<180x56xi32, #tpu.memory_space<vmem>> -> memref<1x56xi32, #tpu.memory_space<vmem>>
        %dma_start3A_157 = tpu.memref_squeeze %dma_start3A_156 : memref<1x56xi32, #tpu.memory_space<vmem>> -> memref<56xi32, #tpu.memory_space<vmem>>
        %dma_start3A_158 = arith.constant 0 : i32
        %dma_start3A_159 = arith.constant 0 : i32
        %dma_start3A_160 = tpu.memref_slice %arg2[%dma_start3A_158, %dma_start3A_159] : memref<10000x128xf32, #tpu.memory_space<hbm>> -> memref<10000x128xf32, #tpu.memory_space<hbm>>
        tpu.enqueue_indirect_dma source(%dma_start3A_160 : memref<10000x128xf32, #tpu.memory_space<hbm>>) target(%arg10 : memref<56x128xf32, #tpu.memory_space<vmem>>) offsets(%dma_start3A_157 : memref<56xi32, #tpu.memory_space<vmem>>) semaphore(%arg15 : memref<!tpu.dma_semaphore, #tpu.memory_space<semaphore_mem>>)
      } else {
      }
      %dma_wait3A_112 = arith.constant 0 : i32
      %dma_wait3A_113 = tpu.memref_slice %arg7[%add3A_102, %dma_wait3A_112] : memref<180x56xi32, #tpu.memory_space<vmem>> -> memref<1x56xi32, #tpu.memory_space<vmem>>
      %dma_wait3A_114 = tpu.memref_squeeze %dma_wait3A_113 : memref<1x56xi32, #tpu.memory_space<vmem>> -> memref<56xi32, #tpu.memory_space<vmem>>
      %dma_wait3A_115 = arith.constant 0 : i32
      %dma_wait3A_116 = arith.constant 0 : i32
      %dma_wait3A_117 = tpu.memref_slice %arg2[%dma_wait3A_115, %dma_wait3A_116] : memref<10000x128xf32, #tpu.memory_space<hbm>> -> memref<10000x128xf32, #tpu.memory_space<hbm>>
      tpu.wait_indirect_dma semaphore(%arg16 : memref<!tpu.dma_semaphore, #tpu.memory_space<semaphore_mem>>) src(%dma_wait3A_117 : memref<10000x128xf32, #tpu.memory_space<hbm>>) dst(%arg11 : memref<56x128xf32, #tpu.memory_space<vmem>>)
      %dma_start3A_118 = arith.constant 0 : i32
      %dma_start3A_119 = tpu.memref_slice %arg8[%add3A_102, %dma_start3A_118] : memref<180x56xi32, #tpu.memory_space<vmem>> -> memref<1x56xi32, #tpu.memory_space<vmem>>
      %dma_start3A_120 = tpu.memref_squeeze %dma_start3A_119 : memref<1x56xi32, #tpu.memory_space<vmem>> -> memref<56xi32, #tpu.memory_space<vmem>>
      %dma_start3A_121 = arith.constant 0 : i32
      %dma_start3A_122 = arith.constant 0 : i32
      %dma_start3A_123 = tpu.memref_slice %arg13[%dma_start3A_121, %dma_start3A_122] : memref<10112x128xf32, #tpu.memory_space<vmem_shared>> -> memref<10112x128xf32, #tpu.memory_space<vmem_shared>>
      tpu.enqueue_indirect_dma source(%arg11 : memref<56x128xf32, #tpu.memory_space<vmem>>) target(%dma_start3A_123 : memref<10112x128xf32, #tpu.memory_space<vmem_shared>>) offsets(%dma_start3A_120 : memref<56xi32, #tpu.memory_space<vmem>>) semaphore(%arg20 : memref<!tpu.dma_semaphore, #tpu.memory_space<semaphore_mem>>) {add = true}
      %add3A_124 = arith.constant 3 : i32
      %add3A_125 = arith.addi %mul3A_58, %add3A_124 : i32
      %add3A_126 = arith.constant 4 : i32
      %add3A_127 = arith.addi %add3A_125, %add3A_126 : i32
      %sub3A_128 = arith.constant 1 : i32
      %sub3A_129 = arith.subi %add3A_127, %sub3A_128 : i32
      %lt3A_130 = arith.constant 180 : i32
      %lt3A_131 = arith.cmpi slt, %sub3A_129, %lt3A_130 : i32
      %convert_element_type3A_132 = arith.extui %lt3A_131 : i1 to i32
      %cond3A_133 = arith.constant 0 : i32
      %cond3A_134 = arith.cmpi ne, %convert_element_type3A_132, %cond3A_133 : i32
      scf.if %cond3A_134 {
        %ge3A = arith.constant 1 : i32
        %ge3A_147 = arith.cmpi sge, %add3A_125, %ge3A : i32
        %convert_element_type3A_148 = arith.extui %ge3A_147 : i1 to i32
        %cond3A_149 = arith.constant 0 : i32
        %cond3A_150 = arith.cmpi ne, %convert_element_type3A_148, %cond3A_149 : i32
        scf.if %cond3A_150 {
          %sub3A_161 = arith.constant 1 : i32
          %sub3A_162 = arith.subi %add3A_125, %sub3A_161 : i32
          %dma_wait3A_163 = arith.constant 0 : i32
          %dma_wait3A_164 = tpu.memref_slice %arg8[%sub3A_162, %dma_wait3A_163] : memref<180x56xi32, #tpu.memory_space<vmem>> -> memref<1x56xi32, #tpu.memory_space<vmem>>
          %dma_wait3A_165 = tpu.memref_squeeze %dma_wait3A_164 : memref<1x56xi32, #tpu.memory_space<vmem>> -> memref<56xi32, #tpu.memory_space<vmem>>
          %dma_wait3A_166 = arith.constant 0 : i32
          %dma_wait3A_167 = arith.constant 0 : i32
          %dma_wait3A_168 = tpu.memref_slice %arg13[%dma_wait3A_166, %dma_wait3A_167] : memref<10112x128xf32, #tpu.memory_space<vmem_shared>> -> memref<10112x128xf32, #tpu.memory_space<vmem_shared>>
          tpu.wait_indirect_dma semaphore(%arg20 : memref<!tpu.dma_semaphore, #tpu.memory_space<semaphore_mem>>) src(%arg11 : memref<56x128xf32, #tpu.memory_space<vmem>>) dst(%dma_wait3A_168 : memref<10112x128xf32, #tpu.memory_space<vmem_shared>>)
        } else {
        }
        %add3A_151 = arith.constant 4 : i32
        %add3A_152 = arith.addi %add3A_125, %add3A_151 : i32
        %sub3A_153 = arith.constant 1 : i32
        %sub3A_154 = arith.subi %add3A_152, %sub3A_153 : i32
        %dma_start3A_155 = arith.constant 0 : i32
        %dma_start3A_156 = tpu.memref_slice %arg7[%sub3A_154, %dma_start3A_155] : memref<180x56xi32, #tpu.memory_space<vmem>> -> memref<1x56xi32, #tpu.memory_space<vmem>>
        %dma_start3A_157 = tpu.memref_squeeze %dma_start3A_156 : memref<1x56xi32, #tpu.memory_space<vmem>> -> memref<56xi32, #tpu.memory_space<vmem>>
        %dma_start3A_158 = arith.constant 0 : i32
        %dma_start3A_159 = arith.constant 0 : i32
        %dma_start3A_160 = tpu.memref_slice %arg2[%dma_start3A_158, %dma_start3A_159] : memref<10000x128xf32, #tpu.memory_space<hbm>> -> memref<10000x128xf32, #tpu.memory_space<hbm>>
        tpu.enqueue_indirect_dma source(%dma_start3A_160 : memref<10000x128xf32, #tpu.memory_space<hbm>>) target(%arg11 : memref<56x128xf32, #tpu.memory_space<vmem>>) offsets(%dma_start3A_157 : memref<56xi32, #tpu.memory_space<vmem>>) semaphore(%arg16 : memref<!tpu.dma_semaphore, #tpu.memory_space<semaphore_mem>>)
      } else {
      }
      %dma_wait3A_135 = arith.constant 0 : i32
      %dma_wait3A_136 = tpu.memref_slice %arg7[%add3A_125, %dma_wait3A_135] : memref<180x56xi32, #tpu.memory_space<vmem>> -> memref<1x56xi32, #tpu.memory_space<vmem>>
      %dma_wait3A_137 = tpu.memref_squeeze %dma_wait3A_136 : memref<1x56xi32, #tpu.memory_space<vmem>> -> memref<56xi32, #tpu.memory_space<vmem>>
      %dma_wait3A_138 = arith.constant 0 : i32
      %dma_wait3A_139 = arith.constant 0 : i32
      %dma_wait3A_140 = tpu.memref_slice %arg2[%dma_wait3A_138, %dma_wait3A_139] : memref<10000x128xf32, #tpu.memory_space<hbm>> -> memref<10000x128xf32, #tpu.memory_space<hbm>>
      tpu.wait_indirect_dma semaphore(%arg17 : memref<!tpu.dma_semaphore, #tpu.memory_space<semaphore_mem>>) src(%dma_wait3A_140 : memref<10000x128xf32, #tpu.memory_space<hbm>>) dst(%arg12 : memref<56x128xf32, #tpu.memory_space<vmem>>)
      %dma_start3A_141 = arith.constant 0 : i32
      %dma_start3A_142 = tpu.memref_slice %arg8[%add3A_125, %dma_start3A_141] : memref<180x56xi32, #tpu.memory_space<vmem>> -> memref<1x56xi32, #tpu.memory_space<vmem>>
      %dma_start3A_143 = tpu.memref_squeeze %dma_start3A_142 : memref<1x56xi32, #tpu.memory_space<vmem>> -> memref<56xi32, #tpu.memory_space<vmem>>
      %dma_start3A_144 = arith.constant 0 : i32
      %dma_start3A_145 = arith.constant 0 : i32
      %dma_start3A_146 = tpu.memref_slice %arg13[%dma_start3A_144, %dma_start3A_145] : memref<10112x128xf32, #tpu.memory_space<vmem_shared>> -> memref<10112x128xf32, #tpu.memory_space<vmem_shared>>
      tpu.enqueue_indirect_dma source(%arg12 : memref<56x128xf32, #tpu.memory_space<vmem>>) target(%dma_start3A_146 : memref<10112x128xf32, #tpu.memory_space<vmem_shared>>) offsets(%dma_start3A_143 : memref<56xi32, #tpu.memory_space<vmem>>) semaphore(%arg21 : memref<!tpu.dma_semaphore, #tpu.memory_space<semaphore_mem>>) {add = true}
    }
    %scan3A_27 = arith.constant 45 : i32
    %dma_wait3A = arith.constant 176 : i32
    %dma_wait3A_28 = arith.constant 0 : i32
    %dma_wait3A_29 = tpu.memref_slice %arg8[%dma_wait3A, %dma_wait3A_28] : memref<180x56xi32, #tpu.memory_space<vmem>> -> memref<1x56xi32, #tpu.memory_space<vmem>>
    %dma_wait3A_30 = tpu.memref_squeeze %dma_wait3A_29 : memref<1x56xi32, #tpu.memory_space<vmem>> -> memref<56xi32, #tpu.memory_space<vmem>>
    %dma_wait3A_31 = arith.constant 0 : i32
    %dma_wait3A_32 = arith.constant 0 : i32
    %dma_wait3A_33 = tpu.memref_slice %arg13[%dma_wait3A_31, %dma_wait3A_32] : memref<10112x128xf32, #tpu.memory_space<vmem_shared>> -> memref<10112x128xf32, #tpu.memory_space<vmem_shared>>
    tpu.wait_indirect_dma semaphore(%arg18 : memref<!tpu.dma_semaphore, #tpu.memory_space<semaphore_mem>>) src(%arg9 : memref<56x128xf32, #tpu.memory_space<vmem>>) dst(%dma_wait3A_33 : memref<10112x128xf32, #tpu.memory_space<vmem_shared>>)
    %dma_wait3A_34 = arith.constant 177 : i32
    %dma_wait3A_35 = arith.constant 0 : i32
    %dma_wait3A_36 = tpu.memref_slice %arg8[%dma_wait3A_34, %dma_wait3A_35] : memref<180x56xi32, #tpu.memory_space<vmem>> -> memref<1x56xi32, #tpu.memory_space<vmem>>
    %dma_wait3A_37 = tpu.memref_squeeze %dma_wait3A_36 : memref<1x56xi32, #tpu.memory_space<vmem>> -> memref<56xi32, #tpu.memory_space<vmem>>
    %dma_wait3A_38 = arith.constant 0 : i32
    %dma_wait3A_39 = arith.constant 0 : i32
    %dma_wait3A_40 = tpu.memref_slice %arg13[%dma_wait3A_38, %dma_wait3A_39] : memref<10112x128xf32, #tpu.memory_space<vmem_shared>> -> memref<10112x128xf32, #tpu.memory_space<vmem_shared>>
    tpu.wait_indirect_dma semaphore(%arg19 : memref<!tpu.dma_semaphore, #tpu.memory_space<semaphore_mem>>) src(%arg10 : memref<56x128xf32, #tpu.memory_space<vmem>>) dst(%dma_wait3A_40 : memref<10112x128xf32, #tpu.memory_space<vmem_shared>>)
    %dma_wait3A_41 = arith.constant 178 : i32
    %dma_wait3A_42 = arith.constant 0 : i32
    %dma_wait3A_43 = tpu.memref_slice %arg8[%dma_wait3A_41, %dma_wait3A_42] : memref<180x56xi32, #tpu.memory_space<vmem>> -> memref<1x56xi32, #tpu.memory_space<vmem>>
    %dma_wait3A_44 = tpu.memref_squeeze %dma_wait3A_43 : memref<1x56xi32, #tpu.memory_space<vmem>> -> memref<56xi32, #tpu.memory_space<vmem>>
    %dma_wait3A_45 = arith.constant 0 : i32
    %dma_wait3A_46 = arith.constant 0 : i32
    %dma_wait3A_47 = tpu.memref_slice %arg13[%dma_wait3A_45, %dma_wait3A_46] : memref<10112x128xf32, #tpu.memory_space<vmem_shared>> -> memref<10112x128xf32, #tpu.memory_space<vmem_shared>>
    tpu.wait_indirect_dma semaphore(%arg20 : memref<!tpu.dma_semaphore, #tpu.memory_space<semaphore_mem>>) src(%arg11 : memref<56x128xf32, #tpu.memory_space<vmem>>) dst(%dma_wait3A_47 : memref<10112x128xf32, #tpu.memory_space<vmem_shared>>)
    %dma_wait3A_48 = arith.constant 179 : i32
    %dma_wait3A_49 = arith.constant 0 : i32
    %dma_wait3A_50 = tpu.memref_slice %arg8[%dma_wait3A_48, %dma_wait3A_49] : memref<180x56xi32, #tpu.memory_space<vmem>> -> memref<1x56xi32, #tpu.memory_space<vmem>>
    %dma_wait3A_51 = tpu.memref_squeeze %dma_wait3A_50 : memref<1x56xi32, #tpu.memory_space<vmem>> -> memref<56xi32, #tpu.memory_space<vmem>>
    %dma_wait3A_52 = arith.constant 0 : i32
    %dma_wait3A_53 = arith.constant 0 : i32
    %dma_wait3A_54 = tpu.memref_slice %arg13[%dma_wait3A_52, %dma_wait3A_53] : memref<10112x128xf32, #tpu.memory_space<vmem_shared>> -> memref<10112x128xf32, #tpu.memory_space<vmem_shared>>
    tpu.wait_indirect_dma semaphore(%arg21 : memref<!tpu.dma_semaphore, #tpu.memory_space<semaphore_mem>>) src(%arg12 : memref<56x128xf32, #tpu.memory_space<vmem>>) dst(%dma_wait3A_54 : memref<10112x128xf32, #tpu.memory_space<vmem_shared>>)
    %barrier3A_55 = arith.constant 0 : index
    tpu.barrier barrier_id(%barrier3A_55)
    "tpu.region"() ({
      %run_scoped3A = tpu.sem_alloc : memref<!tpu.dma_semaphore, #tpu.memory_space<semaphore_mem>>
      %dma_start3A_56 = arith.constant 0 : i32
      %dma_start3A_57 = tpu.memref_slice %arg6[%arg0, %mul3A_2, %dma_start3A_56] : memref<2x10112x128xf32, #tpu.memory_space<hbm>> -> memref<1x632x128xf32, #tpu.memory_space<hbm>>
      %dma_start3A_58 = tpu.memref_squeeze %dma_start3A_57 : memref<1x632x128xf32, #tpu.memory_space<hbm>> -> memref<632x128xf32, #tpu.memory_space<hbm>>
      %dma_start3A_59 = arith.constant 0 : i32
      %dma_start3A_60 = tpu.memref_slice %arg13[%mul3A_2, %dma_start3A_59] : memref<10112x128xf32, #tpu.memory_space<vmem_shared>> -> memref<632x128xf32, #tpu.memory_space<vmem_shared>>
      tpu.enqueue_dma source(%dma_start3A_60 : memref<632x128xf32, #tpu.memory_space<vmem_shared>>) target(%dma_start3A_58 : memref<632x128xf32, #tpu.memory_space<hbm>>) target_semaphore(%run_scoped3A : memref<!tpu.dma_semaphore, #tpu.memory_space<semaphore_mem>>)
      %dma_wait3A_61 = arith.constant 0 : i32
      %dma_wait3A_62 = tpu.memref_slice %arg6[%arg0, %mul3A_2, %dma_wait3A_61] : memref<2x10112x128xf32, #tpu.memory_space<hbm>> -> memref<1x632x128xf32, #tpu.memory_space<hbm>>
      %dma_wait3A_63 = tpu.memref_squeeze %dma_wait3A_62 : memref<1x632x128xf32, #tpu.memory_space<hbm>> -> memref<632x128xf32, #tpu.memory_space<hbm>>
      %dma_wait3A_64 = arith.constant 0 : i32
      %dma_wait3A_65 = tpu.memref_slice %arg13[%mul3A_2, %dma_wait3A_64] : memref<10112x128xf32, #tpu.memory_space<vmem_shared>> -> memref<632x128xf32, #tpu.memory_space<vmem_shared>>
      tpu.wait_dma2 semaphore(%run_scoped3A : memref<!tpu.dma_semaphore, #tpu.memory_space<semaphore_mem>>) src(%dma_wait3A_65 : memref<632x128xf32, #tpu.memory_space<vmem_shared>>) dst(%dma_wait3A_63 : memref<632x128xf32, #tpu.memory_space<hbm>>)
      tpu.yield
    }) : () -> ()
    return
  }
}

#map = affine_map<(d0, d1) -> (0, 0)>
#map1 = affine_map<(d0, d1) -> (0, 0, 0)>
module attributes {stable_mosaic.version = 14 : i64} {
  func.func @body_fn(%arg0: i32, %arg1: i32, %arg2: memref<10000x16xf32, #tpu.memory_space<hbm>>, %arg3: memref<32x180x56xi32, #tpu.memory_space<hbm>>, %arg4: memref<32x180x56xi32, #tpu.memory_space<hbm>>, %arg5: memref<632x16xf32, #tpu.memory_space<hbm>>, %arg6: memref<2x10112x16xf32, #tpu.memory_space<hbm>>, %arg7: memref<180x56xi32, #tpu.memory_space<vmem>>, %arg8: memref<180x56xi32, #tpu.memory_space<vmem>>, %arg9: memref<56x16xf32, #tpu.memory_space<vmem>>, %arg10: memref<56x16xf32, #tpu.memory_space<vmem>>, %arg11: memref<56x16xf32, #tpu.memory_space<vmem>>, %arg12: memref<56x16xf32, #tpu.memory_space<vmem>>, %arg13: memref<10112x16xf32, #tpu.memory_space<vmem_shared>>, %arg14: memref<!tpu.dma_semaphore, #tpu.memory_space<semaphore_mem>>, %arg15: memref<!tpu.dma_semaphore, #tpu.memory_space<semaphore_mem>>, %arg16: memref<!tpu.dma_semaphore, #tpu.memory_space<semaphore_mem>>, %arg17: memref<!tpu.dma_semaphore, #tpu.memory_space<semaphore_mem>>, %arg18: memref<!tpu.dma_semaphore, #tpu.memory_space<semaphore_mem>>, %arg19: memref<!tpu.dma_semaphore, #tpu.memory_space<semaphore_mem>>, %arg20: memref<!tpu.dma_semaphore, #tpu.memory_space<semaphore_mem>>, %arg21: memref<!tpu.dma_semaphore, #tpu.memory_space<semaphore_mem>>) attributes {dimension_semantics = [#tpu.dimension_semantics<core_parallel>, #tpu.dimension_semantics<subcore_parallel>], iteration_bounds = array<i64: 2, 16>, scalar_prefetch = 0 : i64, scratch_operands = 15 : i64, tpu.core_type = #tpu.core_type<sc_vector_subcore>, window_params = [{transform_indices = #map}, {transform_indices = #map1}, {transform_indices = #map1}, {transform_indices = #map}, {transform_indices = #map1}]} {
    %mul3A = arith.constant 16 : i32
    %mul3A_0 = arith.muli %arg0, %mul3A : i32
    %add3A = arith.addi %mul3A_0, %arg1 : i32
    "tpu.region"() ({
      %run_scoped3A = tpu.sem_alloc : memref<!tpu.dma_semaphore, #tpu.memory_space<semaphore_mem>>
      %dma_start3A_56 = arith.constant 0 : i32
      %dma_start3A_57 = arith.constant 0 : i32
      %dma_start3A_58 = tpu.memref_slice %arg3[%add3A, %dma_start3A_56, %dma_start3A_57] : memref<32x180x56xi32, #tpu.memory_space<hbm>> -> memref<1x180x56xi32, #tpu.memory_space<hbm>>
      %dma_start3A_59 = tpu.memref_squeeze %dma_start3A_58 : memref<1x180x56xi32, #tpu.memory_space<hbm>> -> memref<180x56xi32, #tpu.memory_space<hbm>>
      %dma_start3A_60 = arith.constant 0 : i32
      %dma_start3A_61 = arith.constant 0 : i32
      %dma_start3A_62 = tpu.memref_slice %arg3[%add3A, %dma_start3A_60, %dma_start3A_61] : memref<32x180x56xi32, #tpu.memory_space<hbm>> -> memref<1x180x56xi32, #tpu.memory_space<hbm>>
      %dma_start3A_63 = tpu.memref_squeeze %dma_start3A_62 : memref<1x180x56xi32, #tpu.memory_space<hbm>> -> memref<180x56xi32, #tpu.memory_space<hbm>>
      tpu.enqueue_dma source(%dma_start3A_63 : memref<180x56xi32, #tpu.memory_space<hbm>>) target(%arg7 : memref<180x56xi32, #tpu.memory_space<vmem>>) target_semaphore(%run_scoped3A : memref<!tpu.dma_semaphore, #tpu.memory_space<semaphore_mem>>)
      %dma_wait3A_64 = arith.constant 0 : i32
      %dma_wait3A_65 = arith.constant 0 : i32
      %dma_wait3A_66 = tpu.memref_slice %arg3[%add3A, %dma_wait3A_64, %dma_wait3A_65] : memref<32x180x56xi32, #tpu.memory_space<hbm>> -> memref<1x180x56xi32, #tpu.memory_space<hbm>>
      %dma_wait3A_67 = tpu.memref_squeeze %dma_wait3A_66 : memref<1x180x56xi32, #tpu.memory_space<hbm>> -> memref<180x56xi32, #tpu.memory_space<hbm>>
      %dma_wait3A_68 = arith.constant 0 : i32
      %dma_wait3A_69 = arith.constant 0 : i32
      %dma_wait3A_70 = tpu.memref_slice %arg3[%add3A, %dma_wait3A_68, %dma_wait3A_69] : memref<32x180x56xi32, #tpu.memory_space<hbm>> -> memref<1x180x56xi32, #tpu.memory_space<hbm>>
      %dma_wait3A_71 = tpu.memref_squeeze %dma_wait3A_70 : memref<1x180x56xi32, #tpu.memory_space<hbm>> -> memref<180x56xi32, #tpu.memory_space<hbm>>
      tpu.wait_dma2 semaphore(%run_scoped3A : memref<!tpu.dma_semaphore, #tpu.memory_space<semaphore_mem>>) src(%dma_wait3A_71 : memref<180x56xi32, #tpu.memory_space<hbm>>) dst(%arg7 : memref<180x56xi32, #tpu.memory_space<vmem>>)
      tpu.yield
    }) : () -> ()
    "tpu.region"() ({
      %run_scoped3A = tpu.sem_alloc : memref<!tpu.dma_semaphore, #tpu.memory_space<semaphore_mem>>
      %dma_start3A_56 = arith.constant 0 : i32
      %dma_start3A_57 = arith.constant 0 : i32
      %dma_start3A_58 = tpu.memref_slice %arg4[%add3A, %dma_start3A_56, %dma_start3A_57] : memref<32x180x56xi32, #tpu.memory_space<hbm>> -> memref<1x180x56xi32, #tpu.memory_space<hbm>>
      %dma_start3A_59 = tpu.memref_squeeze %dma_start3A_58 : memref<1x180x56xi32, #tpu.memory_space<hbm>> -> memref<180x56xi32, #tpu.memory_space<hbm>>
      %dma_start3A_60 = arith.constant 0 : i32
      %dma_start3A_61 = arith.constant 0 : i32
      %dma_start3A_62 = tpu.memref_slice %arg4[%add3A, %dma_start3A_60, %dma_start3A_61] : memref<32x180x56xi32, #tpu.memory_space<hbm>> -> memref<1x180x56xi32, #tpu.memory_space<hbm>>
      %dma_start3A_63 = tpu.memref_squeeze %dma_start3A_62 : memref<1x180x56xi32, #tpu.memory_space<hbm>> -> memref<180x56xi32, #tpu.memory_space<hbm>>
      tpu.enqueue_dma source(%dma_start3A_63 : memref<180x56xi32, #tpu.memory_space<hbm>>) target(%arg8 : memref<180x56xi32, #tpu.memory_space<vmem>>) target_semaphore(%run_scoped3A : memref<!tpu.dma_semaphore, #tpu.memory_space<semaphore_mem>>)
      %dma_wait3A_64 = arith.constant 0 : i32
      %dma_wait3A_65 = arith.constant 0 : i32
      %dma_wait3A_66 = tpu.memref_slice %arg4[%add3A, %dma_wait3A_64, %dma_wait3A_65] : memref<32x180x56xi32, #tpu.memory_space<hbm>> -> memref<1x180x56xi32, #tpu.memory_space<hbm>>
      %dma_wait3A_67 = tpu.memref_squeeze %dma_wait3A_66 : memref<1x180x56xi32, #tpu.memory_space<hbm>> -> memref<180x56xi32, #tpu.memory_space<hbm>>
      %dma_wait3A_68 = arith.constant 0 : i32
      %dma_wait3A_69 = arith.constant 0 : i32
      %dma_wait3A_70 = tpu.memref_slice %arg4[%add3A, %dma_wait3A_68, %dma_wait3A_69] : memref<32x180x56xi32, #tpu.memory_space<hbm>> -> memref<1x180x56xi32, #tpu.memory_space<hbm>>
      %dma_wait3A_71 = tpu.memref_squeeze %dma_wait3A_70 : memref<1x180x56xi32, #tpu.memory_space<hbm>> -> memref<180x56xi32, #tpu.memory_space<hbm>>
      tpu.wait_dma2 semaphore(%run_scoped3A : memref<!tpu.dma_semaphore, #tpu.memory_space<semaphore_mem>>) src(%dma_wait3A_71 : memref<180x56xi32, #tpu.memory_space<hbm>>) dst(%arg8 : memref<180x56xi32, #tpu.memory_space<vmem>>)
      tpu.yield
    }) : () -> ()
    %mul3A_1 = arith.constant 632 : i32
    %mul3A_2 = arith.muli %arg1, %mul3A_1 : i32
    "tpu.region"() ({
      %run_scoped3A = tpu.sem_alloc : memref<!tpu.dma_semaphore, #tpu.memory_space<semaphore_mem>>
      %dma_start3A_56 = arith.constant 0 : i32
      %dma_start3A_57 = tpu.memref_slice %arg13[%mul3A_2, %dma_start3A_56] : memref<10112x16xf32, #tpu.memory_space<vmem_shared>> -> memref<632x16xf32, #tpu.memory_space<vmem_shared>>
      tpu.enqueue_dma source(%arg5 : memref<632x16xf32, #tpu.memory_space<hbm>>) target(%dma_start3A_57 : memref<632x16xf32, #tpu.memory_space<vmem_shared>>) target_semaphore(%run_scoped3A : memref<!tpu.dma_semaphore, #tpu.memory_space<semaphore_mem>>)
      %dma_wait3A_58 = arith.constant 0 : i32
      %dma_wait3A_59 = tpu.memref_slice %arg13[%mul3A_2, %dma_wait3A_58] : memref<10112x16xf32, #tpu.memory_space<vmem_shared>> -> memref<632x16xf32, #tpu.memory_space<vmem_shared>>
      tpu.wait_dma2 semaphore(%run_scoped3A : memref<!tpu.dma_semaphore, #tpu.memory_space<semaphore_mem>>) src(%arg5 : memref<632x16xf32, #tpu.memory_space<hbm>>) dst(%dma_wait3A_59 : memref<632x16xf32, #tpu.memory_space<vmem_shared>>)
      tpu.yield
    }) : () -> ()
    %barrier3A = arith.constant 0 : index
    tpu.barrier barrier_id(%barrier3A)
    %dma_start3A = arith.constant 0 : i32
    %dma_start3A_3 = arith.constant 0 : i32
    %dma_start3A_4 = tpu.memref_slice %arg7[%dma_start3A, %dma_start3A_3] : memref<180x56xi32, #tpu.memory_space<vmem>> -> memref<1x56xi32, #tpu.memory_space<vmem>>
    %dma_start3A_5 = tpu.memref_squeeze %dma_start3A_4 : memref<1x56xi32, #tpu.memory_space<vmem>> -> memref<56xi32, #tpu.memory_space<vmem>>
    %dma_start3A_6 = arith.constant 0 : i32
    %dma_start3A_7 = arith.constant 0 : i32
    %dma_start3A_8 = tpu.memref_slice %arg2[%dma_start3A_6, %dma_start3A_7] : memref<10000x16xf32, #tpu.memory_space<hbm>> -> memref<10000x16xf32, #tpu.memory_space<hbm>>
    tpu.enqueue_indirect_dma source(%dma_start3A_8 : memref<10000x16xf32, #tpu.memory_space<hbm>>) target(%arg9 : memref<56x16xf32, #tpu.memory_space<vmem>>) offsets(%dma_start3A_5 : memref<56xi32, #tpu.memory_space<vmem>>) semaphore(%arg14 : memref<!tpu.dma_semaphore, #tpu.memory_space<semaphore_mem>>)
    %dma_start3A_9 = arith.constant 1 : i32
    %dma_start3A_10 = arith.constant 0 : i32
    %dma_start3A_11 = tpu.memref_slice %arg7[%dma_start3A_9, %dma_start3A_10] : memref<180x56xi32, #tpu.memory_space<vmem>> -> memref<1x56xi32, #tpu.memory_space<vmem>>
    %dma_start3A_12 = tpu.memref_squeeze %dma_start3A_11 : memref<1x56xi32, #tpu.memory_space<vmem>> -> memref<56xi32, #tpu.memory_space<vmem>>
    %dma_start3A_13 = arith.constant 0 : i32
    %dma_start3A_14 = arith.constant 0 : i32
    %dma_start3A_15 = tpu.memref_slice %arg2[%dma_start3A_13, %dma_start3A_14] : memref<10000x16xf32, #tpu.memory_space<hbm>> -> memref<10000x16xf32, #tpu.memory_space<hbm>>
    tpu.enqueue_indirect_dma source(%dma_start3A_15 : memref<10000x16xf32, #tpu.memory_space<hbm>>) target(%arg10 : memref<56x16xf32, #tpu.memory_space<vmem>>) offsets(%dma_start3A_12 : memref<56xi32, #tpu.memory_space<vmem>>) semaphore(%arg15 : memref<!tpu.dma_semaphore, #tpu.memory_space<semaphore_mem>>)
    %dma_start3A_16 = arith.constant 2 : i32
    %dma_start3A_17 = arith.constant 0 : i32
    %dma_start3A_18 = tpu.memref_slice %arg7[%dma_start3A_16, %dma_start3A_17] : memref<180x56xi32, #tpu.memory_space<vmem>> -> memref<1x56xi32, #tpu.memory_space<vmem>>
    %dma_start3A_19 = tpu.memref_squeeze %dma_start3A_18 : memref<1x56xi32, #tpu.memory_space<vmem>> -> memref<56xi32, #tpu.memory_space<vmem>>
    %dma_start3A_20 = arith.constant 0 : i32
    %dma_start3A_21 = arith.constant 0 : i32
    %dma_start3A_22 = tpu.memref_slice %arg2[%dma_start3A_20, %dma_start3A_21] : memref<10000x16xf32, #tpu.memory_space<hbm>> -> memref<10000x16xf32, #tpu.memory_space<hbm>>
    tpu.enqueue_indirect_dma source(%dma_start3A_22 : memref<10000x16xf32, #tpu.memory_space<hbm>>) target(%arg11 : memref<56x16xf32, #tpu.memory_space<vmem>>) offsets(%dma_start3A_19 : memref<56xi32, #tpu.memory_space<vmem>>) semaphore(%arg16 : memref<!tpu.dma_semaphore, #tpu.memory_space<semaphore_mem>>)
    %scan3A = arith.constant 0 : i32
    %scan3A_23 = arith.constant 0 : i32
    %scan3A_24 = arith.constant 45 : i32
    %scan3A_25 = arith.addi %scan3A_23, %scan3A_24 : i32
    %scan3A_26 = arith.constant 1 : i32
    scf.for %scan3A_56 = %scan3A_23 to %scan3A_25 step %scan3A_26  : i32 {
      %mul3A_57 = arith.constant 4 : i32
      %mul3A_58 = arith.muli %mul3A_57, %scan3A_56 : i32
      %add3A_59 = arith.constant 0 : i32
      %add3A_60 = arith.addi %mul3A_58, %add3A_59 : i32
      %add3A_61 = arith.constant 4 : i32
      %add3A_62 = arith.addi %add3A_60, %add3A_61 : i32
      %sub3A = arith.constant 1 : i32
      %sub3A_63 = arith.subi %add3A_62, %sub3A : i32
      %lt3A = arith.constant 180 : i32
      %lt3A_64 = arith.cmpi slt, %sub3A_63, %lt3A : i32
      %convert_element_type3A = arith.extui %lt3A_64 : i1 to i32
      %cond3A = arith.constant 0 : i32
      %cond3A_65 = arith.cmpi ne, %convert_element_type3A, %cond3A : i32
      scf.if %cond3A_65 {
        %ge3A = arith.constant 1 : i32
        %ge3A_147 = arith.cmpi sge, %add3A_60, %ge3A : i32
        %convert_element_type3A_148 = arith.extui %ge3A_147 : i1 to i32
        %cond3A_149 = arith.constant 0 : i32
        %cond3A_150 = arith.cmpi ne, %convert_element_type3A_148, %cond3A_149 : i32
        scf.if %cond3A_150 {
          %sub3A_161 = arith.constant 1 : i32
          %sub3A_162 = arith.subi %add3A_60, %sub3A_161 : i32
          %dma_wait3A_163 = arith.constant 0 : i32
          %dma_wait3A_164 = tpu.memref_slice %arg8[%sub3A_162, %dma_wait3A_163] : memref<180x56xi32, #tpu.memory_space<vmem>> -> memref<1x56xi32, #tpu.memory_space<vmem>>
          %dma_wait3A_165 = tpu.memref_squeeze %dma_wait3A_164 : memref<1x56xi32, #tpu.memory_space<vmem>> -> memref<56xi32, #tpu.memory_space<vmem>>
          %dma_wait3A_166 = arith.constant 0 : i32
          %dma_wait3A_167 = arith.constant 0 : i32
          %dma_wait3A_168 = tpu.memref_slice %arg13[%dma_wait3A_166, %dma_wait3A_167] : memref<10112x16xf32, #tpu.memory_space<vmem_shared>> -> memref<10112x16xf32, #tpu.memory_space<vmem_shared>>
          tpu.wait_indirect_dma semaphore(%arg21 : memref<!tpu.dma_semaphore, #tpu.memory_space<semaphore_mem>>) src(%arg12 : memref<56x16xf32, #tpu.memory_space<vmem>>) dst(%dma_wait3A_168 : memref<10112x16xf32, #tpu.memory_space<vmem_shared>>)
        } else {
        }
        %add3A_151 = arith.constant 4 : i32
        %add3A_152 = arith.addi %add3A_60, %add3A_151 : i32
        %sub3A_153 = arith.constant 1 : i32
        %sub3A_154 = arith.subi %add3A_152, %sub3A_153 : i32
        %dma_start3A_155 = arith.constant 0 : i32
        %dma_start3A_156 = tpu.memref_slice %arg7[%sub3A_154, %dma_start3A_155] : memref<180x56xi32, #tpu.memory_space<vmem>> -> memref<1x56xi32, #tpu.memory_space<vmem>>
        %dma_start3A_157 = tpu.memref_squeeze %dma_start3A_156 : memref<1x56xi32, #tpu.memory_space<vmem>> -> memref<56xi32, #tpu.memory_space<vmem>>
        %dma_start3A_158 = arith.constant 0 : i32
        %dma_start3A_159 = arith.constant 0 : i32
        %dma_start3A_160 = tpu.memref_slice %arg2[%dma_start3A_158, %dma_start3A_159] : memref<10000x16xf32, #tpu.memory_space<hbm>> -> memref<10000x16xf32, #tpu.memory_space<hbm>>
        tpu.enqueue_indirect_dma source(%dma_start3A_160 : memref<10000x16xf32, #tpu.memory_space<hbm>>) target(%arg12 : memref<56x16xf32, #tpu.memory_space<vmem>>) offsets(%dma_start3A_157 : memref<56xi32, #tpu.memory_space<vmem>>) semaphore(%arg17 : memref<!tpu.dma_semaphore, #tpu.memory_space<semaphore_mem>>)
      } else {
      }
      %dma_wait3A_66 = arith.constant 0 : i32
      %dma_wait3A_67 = tpu.memref_slice %arg7[%add3A_60, %dma_wait3A_66] : memref<180x56xi32, #tpu.memory_space<vmem>> -> memref<1x56xi32, #tpu.memory_space<vmem>>
      %dma_wait3A_68 = tpu.memref_squeeze %dma_wait3A_67 : memref<1x56xi32, #tpu.memory_space<vmem>> -> memref<56xi32, #tpu.memory_space<vmem>>
      %dma_wait3A_69 = arith.constant 0 : i32
      %dma_wait3A_70 = arith.constant 0 : i32
      %dma_wait3A_71 = tpu.memref_slice %arg2[%dma_wait3A_69, %dma_wait3A_70] : memref<10000x16xf32, #tpu.memory_space<hbm>> -> memref<10000x16xf32, #tpu.memory_space<hbm>>
      tpu.wait_indirect_dma semaphore(%arg14 : memref<!tpu.dma_semaphore, #tpu.memory_space<semaphore_mem>>) src(%dma_wait3A_71 : memref<10000x16xf32, #tpu.memory_space<hbm>>) dst(%arg9 : memref<56x16xf32, #tpu.memory_space<vmem>>)
      %dma_start3A_72 = arith.constant 0 : i32
      %dma_start3A_73 = tpu.memref_slice %arg8[%add3A_60, %dma_start3A_72] : memref<180x56xi32, #tpu.memory_space<vmem>> -> memref<1x56xi32, #tpu.memory_space<vmem>>
      %dma_start3A_74 = tpu.memref_squeeze %dma_start3A_73 : memref<1x56xi32, #tpu.memory_space<vmem>> -> memref<56xi32, #tpu.memory_space<vmem>>
      %dma_start3A_75 = arith.constant 0 : i32
      %dma_start3A_76 = arith.constant 0 : i32
      %dma_start3A_77 = tpu.memref_slice %arg13[%dma_start3A_75, %dma_start3A_76] : memref<10112x16xf32, #tpu.memory_space<vmem_shared>> -> memref<10112x16xf32, #tpu.memory_space<vmem_shared>>
      tpu.enqueue_indirect_dma source(%arg9 : memref<56x16xf32, #tpu.memory_space<vmem>>) target(%dma_start3A_77 : memref<10112x16xf32, #tpu.memory_space<vmem_shared>>) offsets(%dma_start3A_74 : memref<56xi32, #tpu.memory_space<vmem>>) semaphore(%arg18 : memref<!tpu.dma_semaphore, #tpu.memory_space<semaphore_mem>>) {add = true}
      %add3A_78 = arith.constant 1 : i32
      %add3A_79 = arith.addi %mul3A_58, %add3A_78 : i32
      %add3A_80 = arith.constant 4 : i32
      %add3A_81 = arith.addi %add3A_79, %add3A_80 : i32
      %sub3A_82 = arith.constant 1 : i32
      %sub3A_83 = arith.subi %add3A_81, %sub3A_82 : i32
      %lt3A_84 = arith.constant 180 : i32
      %lt3A_85 = arith.cmpi slt, %sub3A_83, %lt3A_84 : i32
      %convert_element_type3A_86 = arith.extui %lt3A_85 : i1 to i32
      %cond3A_87 = arith.constant 0 : i32
      %cond3A_88 = arith.cmpi ne, %convert_element_type3A_86, %cond3A_87 : i32
      scf.if %cond3A_88 {
        %ge3A = arith.constant 1 : i32
        %ge3A_147 = arith.cmpi sge, %add3A_79, %ge3A : i32
        %convert_element_type3A_148 = arith.extui %ge3A_147 : i1 to i32
        %cond3A_149 = arith.constant 0 : i32
        %cond3A_150 = arith.cmpi ne, %convert_element_type3A_148, %cond3A_149 : i32
        scf.if %cond3A_150 {
          %sub3A_161 = arith.constant 1 : i32
          %sub3A_162 = arith.subi %add3A_79, %sub3A_161 : i32
          %dma_wait3A_163 = arith.constant 0 : i32
          %dma_wait3A_164 = tpu.memref_slice %arg8[%sub3A_162, %dma_wait3A_163] : memref<180x56xi32, #tpu.memory_space<vmem>> -> memref<1x56xi32, #tpu.memory_space<vmem>>
          %dma_wait3A_165 = tpu.memref_squeeze %dma_wait3A_164 : memref<1x56xi32, #tpu.memory_space<vmem>> -> memref<56xi32, #tpu.memory_space<vmem>>
          %dma_wait3A_166 = arith.constant 0 : i32
          %dma_wait3A_167 = arith.constant 0 : i32
          %dma_wait3A_168 = tpu.memref_slice %arg13[%dma_wait3A_166, %dma_wait3A_167] : memref<10112x16xf32, #tpu.memory_space<vmem_shared>> -> memref<10112x16xf32, #tpu.memory_space<vmem_shared>>
          tpu.wait_indirect_dma semaphore(%arg18 : memref<!tpu.dma_semaphore, #tpu.memory_space<semaphore_mem>>) src(%arg9 : memref<56x16xf32, #tpu.memory_space<vmem>>) dst(%dma_wait3A_168 : memref<10112x16xf32, #tpu.memory_space<vmem_shared>>)
        } else {
        }
        %add3A_151 = arith.constant 4 : i32
        %add3A_152 = arith.addi %add3A_79, %add3A_151 : i32
        %sub3A_153 = arith.constant 1 : i32
        %sub3A_154 = arith.subi %add3A_152, %sub3A_153 : i32
        %dma_start3A_155 = arith.constant 0 : i32
        %dma_start3A_156 = tpu.memref_slice %arg7[%sub3A_154, %dma_start3A_155] : memref<180x56xi32, #tpu.memory_space<vmem>> -> memref<1x56xi32, #tpu.memory_space<vmem>>
        %dma_start3A_157 = tpu.memref_squeeze %dma_start3A_156 : memref<1x56xi32, #tpu.memory_space<vmem>> -> memref<56xi32, #tpu.memory_space<vmem>>
        %dma_start3A_158 = arith.constant 0 : i32
        %dma_start3A_159 = arith.constant 0 : i32
        %dma_start3A_160 = tpu.memref_slice %arg2[%dma_start3A_158, %dma_start3A_159] : memref<10000x16xf32, #tpu.memory_space<hbm>> -> memref<10000x16xf32, #tpu.memory_space<hbm>>
        tpu.enqueue_indirect_dma source(%dma_start3A_160 : memref<10000x16xf32, #tpu.memory_space<hbm>>) target(%arg9 : memref<56x16xf32, #tpu.memory_space<vmem>>) offsets(%dma_start3A_157 : memref<56xi32, #tpu.memory_space<vmem>>) semaphore(%arg14 : memref<!tpu.dma_semaphore, #tpu.memory_space<semaphore_mem>>)
      } else {
      }
      %dma_wait3A_89 = arith.constant 0 : i32
      %dma_wait3A_90 = tpu.memref_slice %arg7[%add3A_79, %dma_wait3A_89] : memref<180x56xi32, #tpu.memory_space<vmem>> -> memref<1x56xi32, #tpu.memory_space<vmem>>
      %dma_wait3A_91 = tpu.memref_squeeze %dma_wait3A_90 : memref<1x56xi32, #tpu.memory_space<vmem>> -> memref<56xi32, #tpu.memory_space<vmem>>
      %dma_wait3A_92 = arith.constant 0 : i32
      %dma_wait3A_93 = arith.constant 0 : i32
      %dma_wait3A_94 = tpu.memref_slice %arg2[%dma_wait3A_92, %dma_wait3A_93] : memref<10000x16xf32, #tpu.memory_space<hbm>> -> memref<10000x16xf32, #tpu.memory_space<hbm>>
      tpu.wait_indirect_dma semaphore(%arg15 : memref<!tpu.dma_semaphore, #tpu.memory_space<semaphore_mem>>) src(%dma_wait3A_94 : memref<10000x16xf32, #tpu.memory_space<hbm>>) dst(%arg10 : memref<56x16xf32, #tpu.memory_space<vmem>>)
      %dma_start3A_95 = arith.constant 0 : i32
      %dma_start3A_96 = tpu.memref_slice %arg8[%add3A_79, %dma_start3A_95] : memref<180x56xi32, #tpu.memory_space<vmem>> -> memref<1x56xi32, #tpu.memory_space<vmem>>
      %dma_start3A_97 = tpu.memref_squeeze %dma_start3A_96 : memref<1x56xi32, #tpu.memory_space<vmem>> -> memref<56xi32, #tpu.memory_space<vmem>>
      %dma_start3A_98 = arith.constant 0 : i32
      %dma_start3A_99 = arith.constant 0 : i32
      %dma_start3A_100 = tpu.memref_slice %arg13[%dma_start3A_98, %dma_start3A_99] : memref<10112x16xf32, #tpu.memory_space<vmem_shared>> -> memref<10112x16xf32, #tpu.memory_space<vmem_shared>>
      tpu.enqueue_indirect_dma source(%arg10 : memref<56x16xf32, #tpu.memory_space<vmem>>) target(%dma_start3A_100 : memref<10112x16xf32, #tpu.memory_space<vmem_shared>>) offsets(%dma_start3A_97 : memref<56xi32, #tpu.memory_space<vmem>>) semaphore(%arg19 : memref<!tpu.dma_semaphore, #tpu.memory_space<semaphore_mem>>) {add = true}
      %add3A_101 = arith.constant 2 : i32
      %add3A_102 = arith.addi %mul3A_58, %add3A_101 : i32
      %add3A_103 = arith.constant 4 : i32
      %add3A_104 = arith.addi %add3A_102, %add3A_103 : i32
      %sub3A_105 = arith.constant 1 : i32
      %sub3A_106 = arith.subi %add3A_104, %sub3A_105 : i32
      %lt3A_107 = arith.constant 180 : i32
      %lt3A_108 = arith.cmpi slt, %sub3A_106, %lt3A_107 : i32
      %convert_element_type3A_109 = arith.extui %lt3A_108 : i1 to i32
      %cond3A_110 = arith.constant 0 : i32
      %cond3A_111 = arith.cmpi ne, %convert_element_type3A_109, %cond3A_110 : i32
      scf.if %cond3A_111 {
        %ge3A = arith.constant 1 : i32
        %ge3A_147 = arith.cmpi sge, %add3A_102, %ge3A : i32
        %convert_element_type3A_148 = arith.extui %ge3A_147 : i1 to i32
        %cond3A_149 = arith.constant 0 : i32
        %cond3A_150 = arith.cmpi ne, %convert_element_type3A_148, %cond3A_149 : i32
        scf.if %cond3A_150 {
          %sub3A_161 = arith.constant 1 : i32
          %sub3A_162 = arith.subi %add3A_102, %sub3A_161 : i32
          %dma_wait3A_163 = arith.constant 0 : i32
          %dma_wait3A_164 = tpu.memref_slice %arg8[%sub3A_162, %dma_wait3A_163] : memref<180x56xi32, #tpu.memory_space<vmem>> -> memref<1x56xi32, #tpu.memory_space<vmem>>
          %dma_wait3A_165 = tpu.memref_squeeze %dma_wait3A_164 : memref<1x56xi32, #tpu.memory_space<vmem>> -> memref<56xi32, #tpu.memory_space<vmem>>
          %dma_wait3A_166 = arith.constant 0 : i32
          %dma_wait3A_167 = arith.constant 0 : i32
          %dma_wait3A_168 = tpu.memref_slice %arg13[%dma_wait3A_166, %dma_wait3A_167] : memref<10112x16xf32, #tpu.memory_space<vmem_shared>> -> memref<10112x16xf32, #tpu.memory_space<vmem_shared>>
          tpu.wait_indirect_dma semaphore(%arg19 : memref<!tpu.dma_semaphore, #tpu.memory_space<semaphore_mem>>) src(%arg10 : memref<56x16xf32, #tpu.memory_space<vmem>>) dst(%dma_wait3A_168 : memref<10112x16xf32, #tpu.memory_space<vmem_shared>>)
        } else {
        }
        %add3A_151 = arith.constant 4 : i32
        %add3A_152 = arith.addi %add3A_102, %add3A_151 : i32
        %sub3A_153 = arith.constant 1 : i32
        %sub3A_154 = arith.subi %add3A_152, %sub3A_153 : i32
        %dma_start3A_155 = arith.constant 0 : i32
        %dma_start3A_156 = tpu.memref_slice %arg7[%sub3A_154, %dma_start3A_155] : memref<180x56xi32, #tpu.memory_space<vmem>> -> memref<1x56xi32, #tpu.memory_space<vmem>>
        %dma_start3A_157 = tpu.memref_squeeze %dma_start3A_156 : memref<1x56xi32, #tpu.memory_space<vmem>> -> memref<56xi32, #tpu.memory_space<vmem>>
        %dma_start3A_158 = arith.constant 0 : i32
        %dma_start3A_159 = arith.constant 0 : i32
        %dma_start3A_160 = tpu.memref_slice %arg2[%dma_start3A_158, %dma_start3A_159] : memref<10000x16xf32, #tpu.memory_space<hbm>> -> memref<10000x16xf32, #tpu.memory_space<hbm>>
        tpu.enqueue_indirect_dma source(%dma_start3A_160 : memref<10000x16xf32, #tpu.memory_space<hbm>>) target(%arg10 : memref<56x16xf32, #tpu.memory_space<vmem>>) offsets(%dma_start3A_157 : memref<56xi32, #tpu.memory_space<vmem>>) semaphore(%arg15 : memref<!tpu.dma_semaphore, #tpu.memory_space<semaphore_mem>>)
      } else {
      }
      %dma_wait3A_112 = arith.constant 0 : i32
      %dma_wait3A_113 = tpu.memref_slice %arg7[%add3A_102, %dma_wait3A_112] : memref<180x56xi32, #tpu.memory_space<vmem>> -> memref<1x56xi32, #tpu.memory_space<vmem>>
      %dma_wait3A_114 = tpu.memref_squeeze %dma_wait3A_113 : memref<1x56xi32, #tpu.memory_space<vmem>> -> memref<56xi32, #tpu.memory_space<vmem>>
      %dma_wait3A_115 = arith.constant 0 : i32
      %dma_wait3A_116 = arith.constant 0 : i32
      %dma_wait3A_117 = tpu.memref_slice %arg2[%dma_wait3A_115, %dma_wait3A_116] : memref<10000x16xf32, #tpu.memory_space<hbm>> -> memref<10000x16xf32, #tpu.memory_space<hbm>>
      tpu.wait_indirect_dma semaphore(%arg16 : memref<!tpu.dma_semaphore, #tpu.memory_space<semaphore_mem>>) src(%dma_wait3A_117 : memref<10000x16xf32, #tpu.memory_space<hbm>>) dst(%arg11 : memref<56x16xf32, #tpu.memory_space<vmem>>)
      %dma_start3A_118 = arith.constant 0 : i32
      %dma_start3A_119 = tpu.memref_slice %arg8[%add3A_102, %dma_start3A_118] : memref<180x56xi32, #tpu.memory_space<vmem>> -> memref<1x56xi32, #tpu.memory_space<vmem>>
      %dma_start3A_120 = tpu.memref_squeeze %dma_start3A_119 : memref<1x56xi32, #tpu.memory_space<vmem>> -> memref<56xi32, #tpu.memory_space<vmem>>
      %dma_start3A_121 = arith.constant 0 : i32
      %dma_start3A_122 = arith.constant 0 : i32
      %dma_start3A_123 = tpu.memref_slice %arg13[%dma_start3A_121, %dma_start3A_122] : memref<10112x16xf32, #tpu.memory_space<vmem_shared>> -> memref<10112x16xf32, #tpu.memory_space<vmem_shared>>
      tpu.enqueue_indirect_dma source(%arg11 : memref<56x16xf32, #tpu.memory_space<vmem>>) target(%dma_start3A_123 : memref<10112x16xf32, #tpu.memory_space<vmem_shared>>) offsets(%dma_start3A_120 : memref<56xi32, #tpu.memory_space<vmem>>) semaphore(%arg20 : memref<!tpu.dma_semaphore, #tpu.memory_space<semaphore_mem>>) {add = true}
      %add3A_124 = arith.constant 3 : i32
      %add3A_125 = arith.addi %mul3A_58, %add3A_124 : i32
      %add3A_126 = arith.constant 4 : i32
      %add3A_127 = arith.addi %add3A_125, %add3A_126 : i32
      %sub3A_128 = arith.constant 1 : i32
      %sub3A_129 = arith.subi %add3A_127, %sub3A_128 : i32
      %lt3A_130 = arith.constant 180 : i32
      %lt3A_131 = arith.cmpi slt, %sub3A_129, %lt3A_130 : i32
      %convert_element_type3A_132 = arith.extui %lt3A_131 : i1 to i32
      %cond3A_133 = arith.constant 0 : i32
      %cond3A_134 = arith.cmpi ne, %convert_element_type3A_132, %cond3A_133 : i32
      scf.if %cond3A_134 {
        %ge3A = arith.constant 1 : i32
        %ge3A_147 = arith.cmpi sge, %add3A_125, %ge3A : i32
        %convert_element_type3A_148 = arith.extui %ge3A_147 : i1 to i32
        %cond3A_149 = arith.constant 0 : i32
        %cond3A_150 = arith.cmpi ne, %convert_element_type3A_148, %cond3A_149 : i32
        scf.if %cond3A_150 {
          %sub3A_161 = arith.constant 1 : i32
          %sub3A_162 = arith.subi %add3A_125, %sub3A_161 : i32
          %dma_wait3A_163 = arith.constant 0 : i32
          %dma_wait3A_164 = tpu.memref_slice %arg8[%sub3A_162, %dma_wait3A_163] : memref<180x56xi32, #tpu.memory_space<vmem>> -> memref<1x56xi32, #tpu.memory_space<vmem>>
          %dma_wait3A_165 = tpu.memref_squeeze %dma_wait3A_164 : memref<1x56xi32, #tpu.memory_space<vmem>> -> memref<56xi32, #tpu.memory_space<vmem>>
          %dma_wait3A_166 = arith.constant 0 : i32
          %dma_wait3A_167 = arith.constant 0 : i32
          %dma_wait3A_168 = tpu.memref_slice %arg13[%dma_wait3A_166, %dma_wait3A_167] : memref<10112x16xf32, #tpu.memory_space<vmem_shared>> -> memref<10112x16xf32, #tpu.memory_space<vmem_shared>>
          tpu.wait_indirect_dma semaphore(%arg20 : memref<!tpu.dma_semaphore, #tpu.memory_space<semaphore_mem>>) src(%arg11 : memref<56x16xf32, #tpu.memory_space<vmem>>) dst(%dma_wait3A_168 : memref<10112x16xf32, #tpu.memory_space<vmem_shared>>)
        } else {
        }
        %add3A_151 = arith.constant 4 : i32
        %add3A_152 = arith.addi %add3A_125, %add3A_151 : i32
        %sub3A_153 = arith.constant 1 : i32
        %sub3A_154 = arith.subi %add3A_152, %sub3A_153 : i32
        %dma_start3A_155 = arith.constant 0 : i32
        %dma_start3A_156 = tpu.memref_slice %arg7[%sub3A_154, %dma_start3A_155] : memref<180x56xi32, #tpu.memory_space<vmem>> -> memref<1x56xi32, #tpu.memory_space<vmem>>
        %dma_start3A_157 = tpu.memref_squeeze %dma_start3A_156 : memref<1x56xi32, #tpu.memory_space<vmem>> -> memref<56xi32, #tpu.memory_space<vmem>>
        %dma_start3A_158 = arith.constant 0 : i32
        %dma_start3A_159 = arith.constant 0 : i32
        %dma_start3A_160 = tpu.memref_slice %arg2[%dma_start3A_158, %dma_start3A_159] : memref<10000x16xf32, #tpu.memory_space<hbm>> -> memref<10000x16xf32, #tpu.memory_space<hbm>>
        tpu.enqueue_indirect_dma source(%dma_start3A_160 : memref<10000x16xf32, #tpu.memory_space<hbm>>) target(%arg11 : memref<56x16xf32, #tpu.memory_space<vmem>>) offsets(%dma_start3A_157 : memref<56xi32, #tpu.memory_space<vmem>>) semaphore(%arg16 : memref<!tpu.dma_semaphore, #tpu.memory_space<semaphore_mem>>)
      } else {
      }
      %dma_wait3A_135 = arith.constant 0 : i32
      %dma_wait3A_136 = tpu.memref_slice %arg7[%add3A_125, %dma_wait3A_135] : memref<180x56xi32, #tpu.memory_space<vmem>> -> memref<1x56xi32, #tpu.memory_space<vmem>>
      %dma_wait3A_137 = tpu.memref_squeeze %dma_wait3A_136 : memref<1x56xi32, #tpu.memory_space<vmem>> -> memref<56xi32, #tpu.memory_space<vmem>>
      %dma_wait3A_138 = arith.constant 0 : i32
      %dma_wait3A_139 = arith.constant 0 : i32
      %dma_wait3A_140 = tpu.memref_slice %arg2[%dma_wait3A_138, %dma_wait3A_139] : memref<10000x16xf32, #tpu.memory_space<hbm>> -> memref<10000x16xf32, #tpu.memory_space<hbm>>
      tpu.wait_indirect_dma semaphore(%arg17 : memref<!tpu.dma_semaphore, #tpu.memory_space<semaphore_mem>>) src(%dma_wait3A_140 : memref<10000x16xf32, #tpu.memory_space<hbm>>) dst(%arg12 : memref<56x16xf32, #tpu.memory_space<vmem>>)
      %dma_start3A_141 = arith.constant 0 : i32
      %dma_start3A_142 = tpu.memref_slice %arg8[%add3A_125, %dma_start3A_141] : memref<180x56xi32, #tpu.memory_space<vmem>> -> memref<1x56xi32, #tpu.memory_space<vmem>>
      %dma_start3A_143 = tpu.memref_squeeze %dma_start3A_142 : memref<1x56xi32, #tpu.memory_space<vmem>> -> memref<56xi32, #tpu.memory_space<vmem>>
      %dma_start3A_144 = arith.constant 0 : i32
      %dma_start3A_145 = arith.constant 0 : i32
      %dma_start3A_146 = tpu.memref_slice %arg13[%dma_start3A_144, %dma_start3A_145] : memref<10112x16xf32, #tpu.memory_space<vmem_shared>> -> memref<10112x16xf32, #tpu.memory_space<vmem_shared>>
      tpu.enqueue_indirect_dma source(%arg12 : memref<56x16xf32, #tpu.memory_space<vmem>>) target(%dma_start3A_146 : memref<10112x16xf32, #tpu.memory_space<vmem_shared>>) offsets(%dma_start3A_143 : memref<56xi32, #tpu.memory_space<vmem>>) semaphore(%arg21 : memref<!tpu.dma_semaphore, #tpu.memory_space<semaphore_mem>>) {add = true}
    }
    %scan3A_27 = arith.constant 45 : i32
    %dma_wait3A = arith.constant 176 : i32
    %dma_wait3A_28 = arith.constant 0 : i32
    %dma_wait3A_29 = tpu.memref_slice %arg8[%dma_wait3A, %dma_wait3A_28] : memref<180x56xi32, #tpu.memory_space<vmem>> -> memref<1x56xi32, #tpu.memory_space<vmem>>
    %dma_wait3A_30 = tpu.memref_squeeze %dma_wait3A_29 : memref<1x56xi32, #tpu.memory_space<vmem>> -> memref<56xi32, #tpu.memory_space<vmem>>
    %dma_wait3A_31 = arith.constant 0 : i32
    %dma_wait3A_32 = arith.constant 0 : i32
    %dma_wait3A_33 = tpu.memref_slice %arg13[%dma_wait3A_31, %dma_wait3A_32] : memref<10112x16xf32, #tpu.memory_space<vmem_shared>> -> memref<10112x16xf32, #tpu.memory_space<vmem_shared>>
    tpu.wait_indirect_dma semaphore(%arg18 : memref<!tpu.dma_semaphore, #tpu.memory_space<semaphore_mem>>) src(%arg9 : memref<56x16xf32, #tpu.memory_space<vmem>>) dst(%dma_wait3A_33 : memref<10112x16xf32, #tpu.memory_space<vmem_shared>>)
    %dma_wait3A_34 = arith.constant 177 : i32
    %dma_wait3A_35 = arith.constant 0 : i32
    %dma_wait3A_36 = tpu.memref_slice %arg8[%dma_wait3A_34, %dma_wait3A_35] : memref<180x56xi32, #tpu.memory_space<vmem>> -> memref<1x56xi32, #tpu.memory_space<vmem>>
    %dma_wait3A_37 = tpu.memref_squeeze %dma_wait3A_36 : memref<1x56xi32, #tpu.memory_space<vmem>> -> memref<56xi32, #tpu.memory_space<vmem>>
    %dma_wait3A_38 = arith.constant 0 : i32
    %dma_wait3A_39 = arith.constant 0 : i32
    %dma_wait3A_40 = tpu.memref_slice %arg13[%dma_wait3A_38, %dma_wait3A_39] : memref<10112x16xf32, #tpu.memory_space<vmem_shared>> -> memref<10112x16xf32, #tpu.memory_space<vmem_shared>>
    tpu.wait_indirect_dma semaphore(%arg19 : memref<!tpu.dma_semaphore, #tpu.memory_space<semaphore_mem>>) src(%arg10 : memref<56x16xf32, #tpu.memory_space<vmem>>) dst(%dma_wait3A_40 : memref<10112x16xf32, #tpu.memory_space<vmem_shared>>)
    %dma_wait3A_41 = arith.constant 178 : i32
    %dma_wait3A_42 = arith.constant 0 : i32
    %dma_wait3A_43 = tpu.memref_slice %arg8[%dma_wait3A_41, %dma_wait3A_42] : memref<180x56xi32, #tpu.memory_space<vmem>> -> memref<1x56xi32, #tpu.memory_space<vmem>>
    %dma_wait3A_44 = tpu.memref_squeeze %dma_wait3A_43 : memref<1x56xi32, #tpu.memory_space<vmem>> -> memref<56xi32, #tpu.memory_space<vmem>>
    %dma_wait3A_45 = arith.constant 0 : i32
    %dma_wait3A_46 = arith.constant 0 : i32
    %dma_wait3A_47 = tpu.memref_slice %arg13[%dma_wait3A_45, %dma_wait3A_46] : memref<10112x16xf32, #tpu.memory_space<vmem_shared>> -> memref<10112x16xf32, #tpu.memory_space<vmem_shared>>
    tpu.wait_indirect_dma semaphore(%arg20 : memref<!tpu.dma_semaphore, #tpu.memory_space<semaphore_mem>>) src(%arg11 : memref<56x16xf32, #tpu.memory_space<vmem>>) dst(%dma_wait3A_47 : memref<10112x16xf32, #tpu.memory_space<vmem_shared>>)
    %dma_wait3A_48 = arith.constant 179 : i32
    %dma_wait3A_49 = arith.constant 0 : i32
    %dma_wait3A_50 = tpu.memref_slice %arg8[%dma_wait3A_48, %dma_wait3A_49] : memref<180x56xi32, #tpu.memory_space<vmem>> -> memref<1x56xi32, #tpu.memory_space<vmem>>
    %dma_wait3A_51 = tpu.memref_squeeze %dma_wait3A_50 : memref<1x56xi32, #tpu.memory_space<vmem>> -> memref<56xi32, #tpu.memory_space<vmem>>
    %dma_wait3A_52 = arith.constant 0 : i32
    %dma_wait3A_53 = arith.constant 0 : i32
    %dma_wait3A_54 = tpu.memref_slice %arg13[%dma_wait3A_52, %dma_wait3A_53] : memref<10112x16xf32, #tpu.memory_space<vmem_shared>> -> memref<10112x16xf32, #tpu.memory_space<vmem_shared>>
    tpu.wait_indirect_dma semaphore(%arg21 : memref<!tpu.dma_semaphore, #tpu.memory_space<semaphore_mem>>) src(%arg12 : memref<56x16xf32, #tpu.memory_space<vmem>>) dst(%dma_wait3A_54 : memref<10112x16xf32, #tpu.memory_space<vmem_shared>>)
    %barrier3A_55 = arith.constant 0 : index
    tpu.barrier barrier_id(%barrier3A_55)
    "tpu.region"() ({
      %run_scoped3A = tpu.sem_alloc : memref<!tpu.dma_semaphore, #tpu.memory_space<semaphore_mem>>
      %dma_start3A_56 = arith.constant 0 : i32
      %dma_start3A_57 = tpu.memref_slice %arg6[%arg0, %mul3A_2, %dma_start3A_56] : memref<2x10112x16xf32, #tpu.memory_space<hbm>> -> memref<1x632x16xf32, #tpu.memory_space<hbm>>
      %dma_start3A_58 = tpu.memref_squeeze %dma_start3A_57 : memref<1x632x16xf32, #tpu.memory_space<hbm>> -> memref<632x16xf32, #tpu.memory_space<hbm>>
      %dma_start3A_59 = arith.constant 0 : i32
      %dma_start3A_60 = tpu.memref_slice %arg13[%mul3A_2, %dma_start3A_59] : memref<10112x16xf32, #tpu.memory_space<vmem_shared>> -> memref<632x16xf32, #tpu.memory_space<vmem_shared>>
      tpu.enqueue_dma source(%dma_start3A_60 : memref<632x16xf32, #tpu.memory_space<vmem_shared>>) target(%dma_start3A_58 : memref<632x16xf32, #tpu.memory_space<hbm>>) target_semaphore(%run_scoped3A : memref<!tpu.dma_semaphore, #tpu.memory_space<semaphore_mem>>)
      %dma_wait3A_61 = arith.constant 0 : i32
      %dma_wait3A_62 = tpu.memref_slice %arg6[%arg0, %mul3A_2, %dma_wait3A_61] : memref<2x10112x16xf32, #tpu.memory_space<hbm>> -> memref<1x632x16xf32, #tpu.memory_space<hbm>>
      %dma_wait3A_63 = tpu.memref_squeeze %dma_wait3A_62 : memref<1x632x16xf32, #tpu.memory_space<hbm>> -> memref<632x16xf32, #tpu.memory_space<hbm>>
      %dma_wait3A_64 = arith.constant 0 : i32
      %dma_wait3A_65 = tpu.memref_slice %arg13[%mul3A_2, %dma_wait3A_64] : memref<10112x16xf32, #tpu.memory_space<vmem_shared>> -> memref<632x16xf32, #tpu.memory_space<vmem_shared>>
      tpu.wait_dma2 semaphore(%run_scoped3A : memref<!tpu.dma_semaphore, #tpu.memory_space<semaphore_mem>>) src(%dma_wait3A_65 : memref<632x16xf32, #tpu.memory_space<vmem_shared>>) dst(%dma_wait3A_63 : memref<632x16xf32, #tpu.memory_space<hbm>>)
      tpu.yield
    }) : () -> ()
    return
  }
}

#map = affine_map<(d0, d1) -> (0, 0, 0)>
#map1 = affine_map<(d0, d1) -> (0, 0)>
module attributes {stable_mosaic.version = 14 : i64} {
  func.func @_cnt_body(%arg0: i32, %arg1: i32, %arg2: memref<32x180x56xi32, #tpu.memory_space<hbm>>, %arg3: memref<632x16xf32, #tpu.memory_space<hbm>>, %arg4: memref<56x16xf32, #tpu.memory_space<hbm>>, %arg5: memref<2x10112x16xf32, #tpu.memory_space<hbm>>, %arg6: memref<180x56xi32, #tpu.memory_space<vmem>>, %arg7: memref<56x16xf32, #tpu.memory_space<vmem>>, %arg8: memref<10112x16xf32, #tpu.memory_space<vmem_shared>>, %arg9: memref<!tpu.dma_semaphore, #tpu.memory_space<semaphore_mem>>) attributes {dimension_semantics = [#tpu.dimension_semantics<core_parallel>, #tpu.dimension_semantics<subcore_parallel>], iteration_bounds = array<i64: 2, 16>, scalar_prefetch = 0 : i64, scratch_operands = 4 : i64, tpu.core_type = #tpu.core_type<sc_vector_subcore>, window_params = [{transform_indices = #map}, {transform_indices = #map1}, {transform_indices = #map1}, {transform_indices = #map}]} {
    %mul3A = arith.constant 16 : i32
    %mul3A_0 = arith.muli %arg0, %mul3A : i32
    %add3A = arith.addi %mul3A_0, %arg1 : i32
    "tpu.region"() ({
      %run_scoped3A = tpu.sem_alloc : memref<!tpu.dma_semaphore, #tpu.memory_space<semaphore_mem>>
      %dma_start3A = arith.constant 0 : i32
      %dma_start3A_15 = arith.constant 0 : i32
      %dma_start3A_16 = tpu.memref_slice %arg2[%add3A, %dma_start3A, %dma_start3A_15] : memref<32x180x56xi32, #tpu.memory_space<hbm>> -> memref<1x180x56xi32, #tpu.memory_space<hbm>>
      %dma_start3A_17 = tpu.memref_squeeze %dma_start3A_16 : memref<1x180x56xi32, #tpu.memory_space<hbm>> -> memref<180x56xi32, #tpu.memory_space<hbm>>
      %dma_start3A_18 = arith.constant 0 : i32
      %dma_start3A_19 = arith.constant 0 : i32
      %dma_start3A_20 = tpu.memref_slice %arg2[%add3A, %dma_start3A_18, %dma_start3A_19] : memref<32x180x56xi32, #tpu.memory_space<hbm>> -> memref<1x180x56xi32, #tpu.memory_space<hbm>>
      %dma_start3A_21 = tpu.memref_squeeze %dma_start3A_20 : memref<1x180x56xi32, #tpu.memory_space<hbm>> -> memref<180x56xi32, #tpu.memory_space<hbm>>
      tpu.enqueue_dma source(%dma_start3A_21 : memref<180x56xi32, #tpu.memory_space<hbm>>) target(%arg6 : memref<180x56xi32, #tpu.memory_space<vmem>>) target_semaphore(%run_scoped3A : memref<!tpu.dma_semaphore, #tpu.memory_space<semaphore_mem>>)
      %dma_wait3A = arith.constant 0 : i32
      %dma_wait3A_22 = arith.constant 0 : i32
      %dma_wait3A_23 = tpu.memref_slice %arg2[%add3A, %dma_wait3A, %dma_wait3A_22] : memref<32x180x56xi32, #tpu.memory_space<hbm>> -> memref<1x180x56xi32, #tpu.memory_space<hbm>>
      %dma_wait3A_24 = tpu.memref_squeeze %dma_wait3A_23 : memref<1x180x56xi32, #tpu.memory_space<hbm>> -> memref<180x56xi32, #tpu.memory_space<hbm>>
      %dma_wait3A_25 = arith.constant 0 : i32
      %dma_wait3A_26 = arith.constant 0 : i32
      %dma_wait3A_27 = tpu.memref_slice %arg2[%add3A, %dma_wait3A_25, %dma_wait3A_26] : memref<32x180x56xi32, #tpu.memory_space<hbm>> -> memref<1x180x56xi32, #tpu.memory_space<hbm>>
      %dma_wait3A_28 = tpu.memref_squeeze %dma_wait3A_27 : memref<1x180x56xi32, #tpu.memory_space<hbm>> -> memref<180x56xi32, #tpu.memory_space<hbm>>
      tpu.wait_dma2 semaphore(%run_scoped3A : memref<!tpu.dma_semaphore, #tpu.memory_space<semaphore_mem>>) src(%dma_wait3A_28 : memref<180x56xi32, #tpu.memory_space<hbm>>) dst(%arg6 : memref<180x56xi32, #tpu.memory_space<vmem>>)
      tpu.yield
    }) : () -> ()
    "tpu.region"() ({
      %run_scoped3A = tpu.sem_alloc : memref<!tpu.dma_semaphore, #tpu.memory_space<semaphore_mem>>
      tpu.enqueue_dma source(%arg4 : memref<56x16xf32, #tpu.memory_space<hbm>>) target(%arg7 : memref<56x16xf32, #tpu.memory_space<vmem>>) target_semaphore(%run_scoped3A : memref<!tpu.dma_semaphore, #tpu.memory_space<semaphore_mem>>)
      tpu.wait_dma2 semaphore(%run_scoped3A : memref<!tpu.dma_semaphore, #tpu.memory_space<semaphore_mem>>) src(%arg4 : memref<56x16xf32, #tpu.memory_space<hbm>>) dst(%arg7 : memref<56x16xf32, #tpu.memory_space<vmem>>)
      tpu.yield
    }) : () -> ()
    %mul3A_1 = arith.constant 632 : i32
    %mul3A_2 = arith.muli %arg1, %mul3A_1 : i32
    "tpu.region"() ({
      %run_scoped3A = tpu.sem_alloc : memref<!tpu.dma_semaphore, #tpu.memory_space<semaphore_mem>>
      %dma_start3A = arith.constant 0 : i32
      %dma_start3A_15 = tpu.memref_slice %arg8[%mul3A_2, %dma_start3A] : memref<10112x16xf32, #tpu.memory_space<vmem_shared>> -> memref<632x16xf32, #tpu.memory_space<vmem_shared>>
      tpu.enqueue_dma source(%arg3 : memref<632x16xf32, #tpu.memory_space<hbm>>) target(%dma_start3A_15 : memref<632x16xf32, #tpu.memory_space<vmem_shared>>) target_semaphore(%run_scoped3A : memref<!tpu.dma_semaphore, #tpu.memory_space<semaphore_mem>>)
      %dma_wait3A = arith.constant 0 : i32
      %dma_wait3A_16 = tpu.memref_slice %arg8[%mul3A_2, %dma_wait3A] : memref<10112x16xf32, #tpu.memory_space<vmem_shared>> -> memref<632x16xf32, #tpu.memory_space<vmem_shared>>
      tpu.wait_dma2 semaphore(%run_scoped3A : memref<!tpu.dma_semaphore, #tpu.memory_space<semaphore_mem>>) src(%arg3 : memref<632x16xf32, #tpu.memory_space<hbm>>) dst(%dma_wait3A_16 : memref<632x16xf32, #tpu.memory_space<vmem_shared>>)
      tpu.yield
    }) : () -> ()
    %barrier3A = arith.constant 0 : index
    tpu.barrier barrier_id(%barrier3A)
    %scan3A = arith.constant 0 : i32
    %scan3A_3 = arith.constant 0 : i32
    %scan3A_4 = arith.constant 180 : i32
    %scan3A_5 = arith.addi %scan3A_3, %scan3A_4 : i32
    %scan3A_6 = arith.constant 1 : i32
    scf.for %scan3A_15 = %scan3A_3 to %scan3A_5 step %scan3A_6  : i32 {
      %dma_start3A = arith.constant 0 : i32
      %dma_start3A_16 = tpu.memref_slice %arg6[%scan3A_15, %dma_start3A] : memref<180x56xi32, #tpu.memory_space<vmem>> -> memref<1x56xi32, #tpu.memory_space<vmem>>
      %dma_start3A_17 = tpu.memref_squeeze %dma_start3A_16 : memref<1x56xi32, #tpu.memory_space<vmem>> -> memref<56xi32, #tpu.memory_space<vmem>>
      %dma_start3A_18 = arith.constant 0 : i32
      %dma_start3A_19 = arith.constant 0 : i32
      %dma_start3A_20 = tpu.memref_slice %arg8[%dma_start3A_18, %dma_start3A_19] : memref<10112x16xf32, #tpu.memory_space<vmem_shared>> -> memref<10112x16xf32, #tpu.memory_space<vmem_shared>>
      tpu.enqueue_indirect_dma source(%arg7 : memref<56x16xf32, #tpu.memory_space<vmem>>) target(%dma_start3A_20 : memref<10112x16xf32, #tpu.memory_space<vmem_shared>>) offsets(%dma_start3A_17 : memref<56xi32, #tpu.memory_space<vmem>>) semaphore(%arg9 : memref<!tpu.dma_semaphore, #tpu.memory_space<semaphore_mem>>) {add = true}
    }
    %scan3A_7 = arith.constant 180 : i32
    %scan3A_8 = arith.constant 0 : i32
    %scan3A_9 = arith.constant 0 : i32
    %scan3A_10 = arith.constant 180 : i32
    %scan3A_11 = arith.addi %scan3A_9, %scan3A_10 : i32
    %scan3A_12 = arith.constant 1 : i32
    scf.for %scan3A_15 = %scan3A_9 to %scan3A_11 step %scan3A_12  : i32 {
      %dma_wait3A = arith.constant 0 : i32
      %dma_wait3A_16 = tpu.memref_slice %arg6[%scan3A_15, %dma_wait3A] : memref<180x56xi32, #tpu.memory_space<vmem>> -> memref<1x56xi32, #tpu.memory_space<vmem>>
      %dma_wait3A_17 = tpu.memref_squeeze %dma_wait3A_16 : memref<1x56xi32, #tpu.memory_space<vmem>> -> memref<56xi32, #tpu.memory_space<vmem>>
      %dma_wait3A_18 = arith.constant 0 : i32
      %dma_wait3A_19 = arith.constant 0 : i32
      %dma_wait3A_20 = tpu.memref_slice %arg8[%dma_wait3A_18, %dma_wait3A_19] : memref<10112x16xf32, #tpu.memory_space<vmem_shared>> -> memref<10112x16xf32, #tpu.memory_space<vmem_shared>>
      tpu.wait_indirect_dma semaphore(%arg9 : memref<!tpu.dma_semaphore, #tpu.memory_space<semaphore_mem>>) src(%arg7 : memref<56x16xf32, #tpu.memory_space<vmem>>) dst(%dma_wait3A_20 : memref<10112x16xf32, #tpu.memory_space<vmem_shared>>)
    }
    %scan3A_13 = arith.constant 180 : i32
    %barrier3A_14 = arith.constant 0 : index
    tpu.barrier barrier_id(%barrier3A_14)
    "tpu.region"() ({
      %run_scoped3A = tpu.sem_alloc : memref<!tpu.dma_semaphore, #tpu.memory_space<semaphore_mem>>
      %dma_start3A = arith.constant 0 : i32
      %dma_start3A_15 = tpu.memref_slice %arg5[%arg0, %mul3A_2, %dma_start3A] : memref<2x10112x16xf32, #tpu.memory_space<hbm>> -> memref<1x632x16xf32, #tpu.memory_space<hbm>>
      %dma_start3A_16 = tpu.memref_squeeze %dma_start3A_15 : memref<1x632x16xf32, #tpu.memory_space<hbm>> -> memref<632x16xf32, #tpu.memory_space<hbm>>
      %dma_start3A_17 = arith.constant 0 : i32
      %dma_start3A_18 = tpu.memref_slice %arg8[%mul3A_2, %dma_start3A_17] : memref<10112x16xf32, #tpu.memory_space<vmem_shared>> -> memref<632x16xf32, #tpu.memory_space<vmem_shared>>
      tpu.enqueue_dma source(%dma_start3A_18 : memref<632x16xf32, #tpu.memory_space<vmem_shared>>) target(%dma_start3A_16 : memref<632x16xf32, #tpu.memory_space<hbm>>) target_semaphore(%run_scoped3A : memref<!tpu.dma_semaphore, #tpu.memory_space<semaphore_mem>>)
      %dma_wait3A = arith.constant 0 : i32
      %dma_wait3A_19 = tpu.memref_slice %arg5[%arg0, %mul3A_2, %dma_wait3A] : memref<2x10112x16xf32, #tpu.memory_space<hbm>> -> memref<1x632x16xf32, #tpu.memory_space<hbm>>
      %dma_wait3A_20 = tpu.memref_squeeze %dma_wait3A_19 : memref<1x632x16xf32, #tpu.memory_space<hbm>> -> memref<632x16xf32, #tpu.memory_space<hbm>>
      %dma_wait3A_21 = arith.constant 0 : i32
      %dma_wait3A_22 = tpu.memref_slice %arg8[%mul3A_2, %dma_wait3A_21] : memref<10112x16xf32, #tpu.memory_space<vmem_shared>> -> memref<632x16xf32, #tpu.memory_space<vmem_shared>>
      tpu.wait_dma2 semaphore(%run_scoped3A : memref<!tpu.dma_semaphore, #tpu.memory_space<semaphore_mem>>) src(%dma_wait3A_22 : memref<632x16xf32, #tpu.memory_space<vmem_shared>>) dst(%dma_wait3A_20 : memref<632x16xf32, #tpu.memory_space<hbm>>)
      tpu.yield
    }) : () -> ()
    return
  }
}

module attributes {stable_mosaic.version = 14 : i64} {
  func.func @_tc1_body(%arg0: i32, %arg1: memref<1000x128xf32, #tpu.memory_space<vmem>>, %arg2: memref<1000x128xf32, #tpu.memory_space<vmem>>, %arg3: memref<1000x128xf32, #tpu.memory_space<vmem>>, %arg4: memref<1000x16xf32, #tpu.memory_space<vmem>>, %arg5: memref<1000x16xf32, #tpu.memory_space<vmem>>, %arg6: memref<256x128xf32, #tpu.memory_space<vmem>>, %arg7: memref<256x128xf32, #tpu.memory_space<vmem>>, %arg8: memref<256x128xf32, #tpu.memory_space<vmem>>, %arg9: memref<1x256xf32, #tpu.memory_space<vmem>>, %arg10: memref<1x256xf32, #tpu.memory_space<vmem>>, %arg11: memref<1x256xf32, #tpu.memory_space<vmem>>, %arg12: memref<1x256xf32, #tpu.memory_space<vmem>>, %arg13: memref<16x256xf32, #tpu.memory_space<vmem>>, %arg14: memref<1000x256xf32, #tpu.memory_space<vmem>>, %arg15: memref<1000x16xf32, #tpu.memory_space<vmem>>) attributes {dimension_semantics = [#tpu.dimension_semantics<arbitrary>], iteration_bounds = array<i64: 10>, scalar_prefetch = 0 : i64, scratch_operands = 0 : i64, tpu.core_type = #tpu.core_type<tc>, window_params = [{transform_indices = @transform_0, window_bounds = array<i64: 1000, 128>}, {transform_indices = @transform_1, window_bounds = array<i64: 1000, 128>}, {transform_indices = @transform_2, window_bounds = array<i64: 1000, 128>}, {transform_indices = @transform_3, window_bounds = array<i64: 1000, 16>}, {transform_indices = @transform_4, window_bounds = array<i64: 1000, 16>}, {pipeline_mode = #tpu.pipeline_mode<synchronous>, transform_indices = @transform_5, window_bounds = array<i64: 256, 128>}, {pipeline_mode = #tpu.pipeline_mode<synchronous>, transform_indices = @transform_6, window_bounds = array<i64: 256, 128>}, {pipeline_mode = #tpu.pipeline_mode<synchronous>, transform_indices = @transform_7, window_bounds = array<i64: 256, 128>}, {pipeline_mode = #tpu.pipeline_mode<synchronous>, transform_indices = @transform_8, window_bounds = array<i64: 1, 256>}, {pipeline_mode = #tpu.pipeline_mode<synchronous>, transform_indices = @transform_9, window_bounds = array<i64: 1, 256>}, {pipeline_mode = #tpu.pipeline_mode<synchronous>, transform_indices = @transform_10, window_bounds = array<i64: 1, 256>}, {pipeline_mode = #tpu.pipeline_mode<synchronous>, transform_indices = @transform_11, window_bounds = array<i64: 1, 256>}, {pipeline_mode = #tpu.pipeline_mode<synchronous>, transform_indices = @transform_12, window_bounds = array<i64: 16, 256>}, {transform_indices = @transform_13, window_bounds = array<i64: 1000, 256>}, {transform_indices = @transform_14, window_bounds = array<i64: 1000, 16>}]} {
    %get3A = arith.constant 0 : index
    %get3A_0 = arith.constant 0 : index
    %get3A_1 = vector.load %arg4[%get3A, %get3A_0] : memref<1000x16xf32, #tpu.memory_space<vmem>>, vector<1000x1xf32>
    %get3A_2 = arith.constant 0 : index
    %get3A_3 = arith.constant 0 : index
    %get3A_4 = vector.load %arg5[%get3A_2, %get3A_3] : memref<1000x16xf32, #tpu.memory_space<vmem>>, vector<1000x1xf32>
    %add3A = arith.addf %get3A_1, %get3A_4 : vector<1000x1xf32>
    %max3A = arith.constant 1.000000e+00 : f32
    %max3A_5 = vector.broadcast %max3A : f32 to vector<1000x1xf32>
    %max3A_6 = arith.maximumf %add3A, %max3A_5 : vector<1000x1xf32>
    %get3A_7 = arith.constant 0 : index
    %get3A_8 = arith.constant 0 : index
    %get3A_9 = vector.load %arg2[%get3A_7, %get3A_8] : memref<1000x128xf32, #tpu.memory_space<vmem>>, vector<1000x128xf32>
    %get3A_10 = arith.constant 0 : index
    %get3A_11 = arith.constant 0 : index
    %get3A_12 = vector.load %arg3[%get3A_10, %get3A_11] : memref<1000x128xf32, #tpu.memory_space<vmem>>, vector<1000x128xf32>
    %add3A_13 = arith.addf %get3A_9, %get3A_12 : vector<1000x128xf32>
    %get3A_14 = arith.constant 0 : index
    %get3A_15 = arith.constant 0 : index
    %get3A_16 = vector.load %arg6[%get3A_14, %get3A_15] : memref<256x128xf32, #tpu.memory_space<vmem>>, vector<256x128xf32>
    %dot_general3A = arith.constant dense<0.000000e+00> : vector<1000x256xf32>
    %dot_general3A_17 = tpu.matmul %add3A_13, %get3A_16, %dot_general3A {dimension_numbers = #tpu.dot_dimension_numbers<[1], [1], [0], [0], [0, 0, 1, 0], [], []>, precision = #tpu.contract_precision<fp32>, transpose_lhs_hint = false} : vector<1000x128xf32>, vector<256x128xf32>, vector<1000x256xf32> -> vector<1000x256xf32>
    %div3A = vector.broadcast %max3A_6 : vector<1000x1xf32> to vector<1000x256xf32>
    %div3A_18 = arith.divf %dot_general3A_17, %div3A : vector<1000x256xf32>
    %get3A_19 = arith.constant 0 : index
    %get3A_20 = arith.constant 0 : index
    %get3A_21 = vector.load %arg1[%get3A_19, %get3A_20] : memref<1000x128xf32, #tpu.memory_space<vmem>>, vector<1000x128xf32>
    %get3A_22 = arith.constant 0 : index
    %get3A_23 = arith.constant 0 : index
    %get3A_24 = vector.load %arg7[%get3A_22, %get3A_23] : memref<256x128xf32, #tpu.memory_space<vmem>>, vector<256x128xf32>
    %get3A_25 = arith.constant 0 : index
    %get3A_26 = arith.constant 0 : index
    %get3A_27 = vector.load %arg8[%get3A_25, %get3A_26] : memref<256x128xf32, #tpu.memory_space<vmem>>, vector<256x128xf32>
    %add3A_28 = arith.addf %get3A_24, %get3A_27 : vector<256x128xf32>
    %dot_general3A_29 = arith.constant dense<0.000000e+00> : vector<1000x256xf32>
    %dot_general3A_30 = tpu.matmul %get3A_21, %add3A_28, %dot_general3A_29 {dimension_numbers = #tpu.dot_dimension_numbers<[1], [1], [0], [0], [0, 0, 1, 0], [], []>, precision = #tpu.contract_precision<fp32>, transpose_lhs_hint = false} : vector<1000x128xf32>, vector<256x128xf32>, vector<1000x256xf32> -> vector<1000x256xf32>
    %add3A_31 = arith.addf %div3A_18, %dot_general3A_30 : vector<1000x256xf32>
    %get3A_32 = arith.constant 0 : index
    %get3A_33 = arith.constant 0 : index
    %get3A_34 = vector.load %arg9[%get3A_32, %get3A_33] : memref<1x256xf32, #tpu.memory_space<vmem>>, vector<1x256xf32>
    %add3A_35 = vector.broadcast %get3A_34 : vector<1x256xf32> to vector<1000x256xf32>
    %add3A_36 = arith.addf %add3A_31, %add3A_35 : vector<1000x256xf32>
    %get3A_37 = arith.constant 0 : index
    %get3A_38 = arith.constant 0 : index
    %get3A_39 = vector.load %arg10[%get3A_37, %get3A_38] : memref<1x256xf32, #tpu.memory_space<vmem>>, vector<1x256xf32>
    %add3A_40 = vector.broadcast %get3A_39 : vector<1x256xf32> to vector<1000x256xf32>
    %add3A_41 = arith.addf %add3A_36, %add3A_40 : vector<1000x256xf32>
    %reduce_sum3A = arith.constant dense<0.000000e+00> : vector<1000xf32>
    %reduce_sum3A_42 = vector.multi_reduction <add>, %add3A_41, %reduce_sum3A [1] : vector<1000x256xf32> to vector<1000xf32>
    %broadcast_in_dim3A = vector.shape_cast %reduce_sum3A_42 : vector<1000xf32> to vector<1000x1xf32>
    %div3A_43 = arith.constant 2.560000e+02 : f32
    %div3A_44 = vector.broadcast %div3A_43 : f32 to vector<1000x1xf32>
    %div3A_45 = arith.divf %broadcast_in_dim3A, %div3A_44 : vector<1000x1xf32>
    %sub3A = vector.broadcast %div3A_45 : vector<1000x1xf32> to vector<1000x256xf32>
    %sub3A_46 = arith.subf %add3A_41, %sub3A : vector<1000x256xf32>
    %integer_pow3A = arith.mulf %sub3A_46, %sub3A_46 : vector<1000x256xf32>
    %reduce_sum3A_47 = arith.constant dense<0.000000e+00> : vector<1000xf32>
    %reduce_sum3A_48 = vector.multi_reduction <add>, %integer_pow3A, %reduce_sum3A_47 [1] : vector<1000x256xf32> to vector<1000xf32>
    %broadcast_in_dim3A_49 = vector.shape_cast %reduce_sum3A_48 : vector<1000xf32> to vector<1000x1xf32>
    %div3A_50 = arith.constant 2.560000e+02 : f32
    %div3A_51 = vector.broadcast %div3A_50 : f32 to vector<1000x1xf32>
    %div3A_52 = arith.divf %broadcast_in_dim3A_49, %div3A_51 : vector<1000x1xf32>
    %sub3A_53 = vector.broadcast %div3A_45 : vector<1000x1xf32> to vector<1000x256xf32>
    %sub3A_54 = arith.subf %add3A_41, %sub3A_53 : vector<1000x256xf32>
    %add3A_55 = arith.constant 9.99999974E-6 : f32
    %add3A_56 = vector.broadcast %add3A_55 : f32 to vector<1000x1xf32>
    %add3A_57 = arith.addf %div3A_52, %add3A_56 : vector<1000x1xf32>
    %sqrt3A = math.sqrt %add3A_57 : vector<1000x1xf32>
    %div3A_58 = vector.broadcast %sqrt3A : vector<1000x1xf32> to vector<1000x256xf32>
    %div3A_59 = arith.divf %sub3A_54, %div3A_58 : vector<1000x256xf32>
    %get3A_60 = arith.constant 0 : index
    %get3A_61 = arith.constant 0 : index
    %get3A_62 = vector.load %arg11[%get3A_60, %get3A_61] : memref<1x256xf32, #tpu.memory_space<vmem>>, vector<1x256xf32>
    %mul3A = vector.broadcast %get3A_62 : vector<1x256xf32> to vector<1000x256xf32>
    %mul3A_63 = arith.mulf %div3A_59, %mul3A : vector<1000x256xf32>
    %get3A_64 = arith.constant 0 : index
    %get3A_65 = arith.constant 0 : index
    %get3A_66 = vector.load %arg12[%get3A_64, %get3A_65] : memref<1x256xf32, #tpu.memory_space<vmem>>, vector<1x256xf32>
    %add3A_67 = vector.broadcast %get3A_66 : vector<1x256xf32> to vector<1000x256xf32>
    %add3A_68 = arith.addf %mul3A_63, %add3A_67 : vector<1000x256xf32>
    %gt3A = arith.constant 0.000000e+00 : f32
    %gt3A_69 = vector.broadcast %gt3A : f32 to vector<1000x256xf32>
    %gt3A_70 = arith.cmpf ogt, %add3A_68, %gt3A_69 : vector<1000x256xf32>
    %min3A = arith.constant 0.000000e+00 : f32
    %min3A_71 = vector.broadcast %min3A : f32 to vector<1000x256xf32>
    %min3A_72 = arith.minimumf %add3A_68, %min3A_71 : vector<1000x256xf32>
    %exp3A = math.exp %min3A_72 : vector<1000x256xf32>
    %sub3A_73 = arith.constant 1.000000e+00 : f32
    %sub3A_74 = vector.broadcast %sub3A_73 : f32 to vector<1000x256xf32>
    %sub3A_75 = arith.subf %exp3A, %sub3A_74 : vector<1000x256xf32>
    %select_n3A = arith.select %gt3A_70, %add3A_68, %sub3A_75 : vector<1000x256xi1>, vector<1000x256xf32>
    %swap3A = arith.constant 0 : index
    %swap3A_76 = arith.constant 0 : index
    %swap3A_77 = vector.load %arg14[%swap3A, %swap3A_76] : memref<1000x256xf32, #tpu.memory_space<vmem>>, vector<1000x256xf32>
    tpu.vector_store %arg14[%swap3A, %swap3A_76], %select_n3A {strides = array<i32>} : memref<1000x256xf32, #tpu.memory_space<vmem>>, vector<1000x256xf32>,
    %get3A_78 = arith.constant 0 : index
    %get3A_79 = arith.constant 0 : index
    %get3A_80 = vector.load %arg13[%get3A_78, %get3A_79] : memref<16x256xf32, #tpu.memory_space<vmem>>, vector<16x256xf32>
    %dot_general3A_81 = arith.constant dense<0.000000e+00> : vector<1000x16xf32>
    %dot_general3A_82 = tpu.matmul %select_n3A, %get3A_80, %dot_general3A_81 {dimension_numbers = #tpu.dot_dimension_numbers<[1], [1], [0], [0], [0, 0, 1, 0], [], []>, precision = #tpu.contract_precision<fp32>, transpose_lhs_hint = false} : vector<1000x256xf32>, vector<16x256xf32>, vector<1000x16xf32> -> vector<1000x16xf32>
    %swap3A_83 = arith.constant 0 : index
    %swap3A_84 = arith.constant 0 : index
    %swap3A_85 = vector.load %arg15[%swap3A_83, %swap3A_84] : memref<1000x16xf32, #tpu.memory_space<vmem>>, vector<1000x16xf32>
    tpu.vector_store %arg15[%swap3A_83, %swap3A_84], %dot_general3A_82 {strides = array<i32>} : memref<1000x16xf32, #tpu.memory_space<vmem>>, vector<1000x16xf32>,
    return
  }
  func.func @transform_0(%arg0: i32) -> (i32, i32) {
    %c0_i32 = arith.constant 0 : i32
    %c0_i32_0 = arith.constant 0 : i32
    return %arg0, %c0_i32 : i32, i32
  }
  func.func @transform_1(%arg0: i32) -> (i32, i32) {
    %c0_i32 = arith.constant 0 : i32
    %c0_i32_0 = arith.constant 0 : i32
    return %arg0, %c0_i32 : i32, i32
  }
  func.func @transform_2(%arg0: i32) -> (i32, i32) {
    %c0_i32 = arith.constant 0 : i32
    %c0_i32_0 = arith.constant 0 : i32
    return %arg0, %c0_i32 : i32, i32
  }
  func.func @transform_3(%arg0: i32) -> (i32, i32) {
    %c0_i32 = arith.constant 0 : i32
    %c0_i32_0 = arith.constant 0 : i32
    return %arg0, %c0_i32 : i32, i32
  }
  func.func @transform_4(%arg0: i32) -> (i32, i32) {
    %c0_i32 = arith.constant 0 : i32
    %c0_i32_0 = arith.constant 0 : i32
    return %arg0, %c0_i32 : i32, i32
  }
  func.func @transform_5(%arg0: i32) -> (i32, i32) {
    %c0_i32 = arith.constant 0 : i32
    %c0_i32_0 = arith.constant 0 : i32
    %c0_i32_1 = arith.constant 0 : i32
    return %c0_i32, %c0_i32_0 : i32, i32
  }
  func.func @transform_6(%arg0: i32) -> (i32, i32) {
    %c0_i32 = arith.constant 0 : i32
    %c0_i32_0 = arith.constant 0 : i32
    %c0_i32_1 = arith.constant 0 : i32
    return %c0_i32, %c0_i32_0 : i32, i32
  }
  func.func @transform_7(%arg0: i32) -> (i32, i32) {
    %c0_i32 = arith.constant 0 : i32
    %c0_i32_0 = arith.constant 0 : i32
    %c0_i32_1 = arith.constant 0 : i32
    return %c0_i32, %c0_i32_0 : i32, i32
  }
  func.func @transform_8(%arg0: i32) -> (i32, i32) {
    %c0_i32 = arith.constant 0 : i32
    %c0_i32_0 = arith.constant 0 : i32
    %c0_i32_1 = arith.constant 0 : i32
    return %c0_i32, %c0_i32_0 : i32, i32
  }
  func.func @transform_9(%arg0: i32) -> (i32, i32) {
    %c0_i32 = arith.constant 0 : i32
    %c0_i32_0 = arith.constant 0 : i32
    %c0_i32_1 = arith.constant 0 : i32
    return %c0_i32, %c0_i32_0 : i32, i32
  }
  func.func @transform_10(%arg0: i32) -> (i32, i32) {
    %c0_i32 = arith.constant 0 : i32
    %c0_i32_0 = arith.constant 0 : i32
    %c0_i32_1 = arith.constant 0 : i32
    return %c0_i32, %c0_i32_0 : i32, i32
  }
  func.func @transform_11(%arg0: i32) -> (i32, i32) {
    %c0_i32 = arith.constant 0 : i32
    %c0_i32_0 = arith.constant 0 : i32
    %c0_i32_1 = arith.constant 0 : i32
    return %c0_i32, %c0_i32_0 : i32, i32
  }
  func.func @transform_12(%arg0: i32) -> (i32, i32) {
    %c0_i32 = arith.constant 0 : i32
    %c0_i32_0 = arith.constant 0 : i32
    %c0_i32_1 = arith.constant 0 : i32
    return %c0_i32, %c0_i32_0 : i32, i32
  }
  func.func @transform_13(%arg0: i32) -> (i32, i32) {
    %c0_i32 = arith.constant 0 : i32
    %c0_i32_0 = arith.constant 0 : i32
    return %arg0, %c0_i32 : i32, i32
  }
  func.func @transform_14(%arg0: i32) -> (i32, i32) {
    %c0_i32 = arith.constant 0 : i32
    %c0_i32_0 = arith.constant 0 : i32
    return %arg0, %c0_i32 : i32, i32
  }
}

module attributes {stable_mosaic.version = 14 : i64} {
  func.func @_tc2_body(%arg0: i32, %arg1: memref<1000x256xf32, #tpu.memory_space<vmem>>, %arg2: memref<1000x16xf32, #tpu.memory_space<vmem>>, %arg3: memref<1000x16xf32, #tpu.memory_space<vmem>>, %arg4: memref<1000x16xf32, #tpu.memory_space<vmem>>, %arg5: memref<1000x16xf32, #tpu.memory_space<vmem>>, %arg6: memref<16x256xf32, #tpu.memory_space<vmem>>, %arg7: memref<1x16xf32, #tpu.memory_space<vmem>>, %arg8: memref<1000x16xf32, #tpu.memory_space<vmem>>) attributes {dimension_semantics = [#tpu.dimension_semantics<arbitrary>], iteration_bounds = array<i64: 10>, scalar_prefetch = 0 : i64, scratch_operands = 0 : i64, tpu.core_type = #tpu.core_type<tc>, window_params = [{transform_indices = @transform_0, window_bounds = array<i64: 1000, 256>}, {transform_indices = @transform_1, window_bounds = array<i64: 1000, 16>}, {transform_indices = @transform_2, window_bounds = array<i64: 1000, 16>}, {transform_indices = @transform_3, window_bounds = array<i64: 1000, 16>}, {transform_indices = @transform_4, window_bounds = array<i64: 1000, 16>}, {pipeline_mode = #tpu.pipeline_mode<synchronous>, transform_indices = @transform_5, window_bounds = array<i64: 16, 256>}, {pipeline_mode = #tpu.pipeline_mode<synchronous>, transform_indices = @transform_6, window_bounds = array<i64: 1, 16>}, {transform_indices = @transform_7, window_bounds = array<i64: 1000, 16>}]} {
    %get3A = arith.constant 0 : index
    %get3A_0 = arith.constant 0 : index
    %get3A_1 = vector.load %arg4[%get3A, %get3A_0] : memref<1000x16xf32, #tpu.memory_space<vmem>>, vector<1000x1xf32>
    %get3A_2 = arith.constant 0 : index
    %get3A_3 = arith.constant 0 : index
    %get3A_4 = vector.load %arg5[%get3A_2, %get3A_3] : memref<1000x16xf32, #tpu.memory_space<vmem>>, vector<1000x1xf32>
    %add3A = arith.addf %get3A_1, %get3A_4 : vector<1000x1xf32>
    %max3A = arith.constant 1.000000e+00 : f32
    %max3A_5 = vector.broadcast %max3A : f32 to vector<1000x1xf32>
    %max3A_6 = arith.maximumf %add3A, %max3A_5 : vector<1000x1xf32>
    %get3A_7 = arith.constant 0 : index
    %get3A_8 = arith.constant 0 : index
    %get3A_9 = vector.load %arg2[%get3A_7, %get3A_8] : memref<1000x16xf32, #tpu.memory_space<vmem>>, vector<1000x16xf32>
    %get3A_10 = arith.constant 0 : index
    %get3A_11 = arith.constant 0 : index
    %get3A_12 = vector.load %arg3[%get3A_10, %get3A_11] : memref<1000x16xf32, #tpu.memory_space<vmem>>, vector<1000x16xf32>
    %add3A_13 = arith.addf %get3A_9, %get3A_12 : vector<1000x16xf32>
    %div3A = vector.broadcast %max3A_6 : vector<1000x1xf32> to vector<1000x16xf32>
    %div3A_14 = arith.divf %add3A_13, %div3A : vector<1000x16xf32>
    %get3A_15 = arith.constant 0 : index
    %get3A_16 = arith.constant 0 : index
    %get3A_17 = vector.load %arg1[%get3A_15, %get3A_16] : memref<1000x256xf32, #tpu.memory_space<vmem>>, vector<1000x256xf32>
    %get3A_18 = arith.constant 0 : index
    %get3A_19 = arith.constant 0 : index
    %get3A_20 = vector.load %arg6[%get3A_18, %get3A_19] : memref<16x256xf32, #tpu.memory_space<vmem>>, vector<16x256xf32>
    %dot_general3A = arith.constant dense<0.000000e+00> : vector<1000x16xf32>
    %dot_general3A_21 = tpu.matmul %get3A_17, %get3A_20, %dot_general3A {dimension_numbers = #tpu.dot_dimension_numbers<[1], [1], [0], [0], [0, 0, 1, 0], [], []>, precision = #tpu.contract_precision<fp32>, transpose_lhs_hint = false} : vector<1000x256xf32>, vector<16x256xf32>, vector<1000x16xf32> -> vector<1000x16xf32>
    %add3A_22 = arith.addf %div3A_14, %dot_general3A_21 : vector<1000x16xf32>
    %get3A_23 = arith.constant 0 : index
    %get3A_24 = arith.constant 0 : index
    %get3A_25 = vector.load %arg7[%get3A_23, %get3A_24] : memref<1x16xf32, #tpu.memory_space<vmem>>, vector<1x16xf32>
    %add3A_26 = vector.broadcast %get3A_25 : vector<1x16xf32> to vector<1000x16xf32>
    %add3A_27 = arith.addf %add3A_22, %add3A_26 : vector<1000x16xf32>
    %swap3A = arith.constant 0 : index
    %swap3A_28 = arith.constant 0 : index
    %swap3A_29 = vector.load %arg8[%swap3A, %swap3A_28] : memref<1000x16xf32, #tpu.memory_space<vmem>>, vector<1000x16xf32>
    tpu.vector_store %arg8[%swap3A, %swap3A_28], %add3A_27 {strides = array<i32>} : memref<1000x16xf32, #tpu.memory_space<vmem>>, vector<1000x16xf32>,
    return
  }
  func.func @transform_0(%arg0: i32) -> (i32, i32) {
    %c0_i32 = arith.constant 0 : i32
    %c0_i32_0 = arith.constant 0 : i32
    return %arg0, %c0_i32 : i32, i32
  }
  func.func @transform_1(%arg0: i32) -> (i32, i32) {
    %c0_i32 = arith.constant 0 : i32
    %c0_i32_0 = arith.constant 0 : i32
    return %arg0, %c0_i32 : i32, i32
  }
  func.func @transform_2(%arg0: i32) -> (i32, i32) {
    %c0_i32 = arith.constant 0 : i32
    %c0_i32_0 = arith.constant 0 : i32
    return %arg0, %c0_i32 : i32, i32
  }
  func.func @transform_3(%arg0: i32) -> (i32, i32) {
    %c0_i32 = arith.constant 0 : i32
    %c0_i32_0 = arith.constant 0 : i32
    return %arg0, %c0_i32 : i32, i32
  }
  func.func @transform_4(%arg0: i32) -> (i32, i32) {
    %c0_i32 = arith.constant 0 : i32
    %c0_i32_0 = arith.constant 0 : i32
    return %arg0, %c0_i32 : i32, i32
  }
  func.func @transform_5(%arg0: i32) -> (i32, i32) {
    %c0_i32 = arith.constant 0 : i32
    %c0_i32_0 = arith.constant 0 : i32
    %c0_i32_1 = arith.constant 0 : i32
    return %c0_i32, %c0_i32_0 : i32, i32
  }
  func.func @transform_6(%arg0: i32) -> (i32, i32) {
    %c0_i32 = arith.constant 0 : i32
    %c0_i32_0 = arith.constant 0 : i32
    %c0_i32_1 = arith.constant 0 : i32
    return %c0_i32, %c0_i32_0 : i32, i32
  }
  func.func @transform_7(%arg0: i32) -> (i32, i32) {
    %c0_i32 = arith.constant 0 : i32
    %c0_i32_0 = arith.constant 0 : i32
    return %arg0, %c0_i32 : i32, i32
  }
}

</mosaic_0001>

<sc_bundles>
// kernel: kernel.10.cloned.1.call-start
scs
__scs_entry_jumppad:
0x0: {  	(pc) =	sbr.rel $0x88, $3  }
0x1: {  	(tag) =	ssettag $0x0;
	lr =	simm.s32 $0x1  }
0x2: {  	[smem:$0x3F95] =	sst lr;
	_ =	strace $0xD0000000  }
0x3: {  	_ = 	snop  }
0x4: {  	_ = 	snop  }
0x5: {  	_ = 	snop  }
0x6: {  	_ = 	snop  }
0x7: {  	_ = 	snop  }
__scs_overlays_trampoline_lowered:
0x8: {  	[smem:$0x3FA4] =	sst s0  }
0x9: {  	[smem:$0x3FA5] =	sst s1  }
0xa: {  	[smem:$0x3FA6] =	sst s2  }
0xb: {  	[smem:$0x3FA7] =	sst s3  }
0xc: {  	[smem:$0x3FA8] =	sst s4  }
0xd: {  	[smem:$0x3FA9] =	sst s5  }
0xe: {  	[smem:$0x3FAA] =	sst s6  }
0xf: {  	[smem:$0x3FAB] =	sst s7  }
0x10: {  	[smem:$0x3FAC] =	sst s8  }
0x11: {  	[smem:$0x3FAD] =	sst s9;
	s0 =	simm.s32 @!p0 $0x0  }
0x12: {  	s1 =	sld [smem:$0x3F93];
	s0 =	simm.s32 @p0 $0x1  }
0x13: {  	[smem:$0x3FAE] =	sst s0;
	s0 =	simm.s32 @!p1 $0x0  }
0x14: {  	s2 =	sld [smem:$0x3F92];
	s0 =	simm.s32 @p1 $0x1  }
0x15: {  	[smem:$0x3FAF] =	sst s0;
	s0 =	simm.s32 @!p2 $0x0  }
0x16: {  	s3 =	sld [smem:$0x3FDB];
	s0 =	simm.s32 @p2 $0x1  }
0x17: {  	s4 =	simm.s32 $0x1BF5;
	[smem:$0x3FB1] =	sst s0  }
0x18: {  	s0 =	sld [smem:$0x3F94];
	_ =	swait.ge [sflag:s4], $0x0  }
0x19: {  	s7 =	sld [smem:$0x3F95]  }
0x1a: {  	s8 =	sadd.s32 $0xFFFFE003, lr  }
0x1b: {  	s9 =	sadd.s32 $0xFFFFFEF7, lr;
	s5 =	simm.s32 $0xFFFFFFFF;
	p2 =	slt.u32 s8, $0xFFFFF086  }
0x1c: {  	p1 =	slt.u32 s9, $0xF7A;
	s5 =	simm.s32 @!p2 $0x0  }
0x1d: {  	s5 =	simm.s32 @p1 $0x1;
	p0 =	seq.s32 s7, s2  }
0x1e: {  	s7 =	smul.u32 @!p0 $0xF7A, s2;
	p2 =	seq.s32 @!p0 s5, $0x0  }
0x1f: {  	s9 =	smul.u32 $0xF7A, s1;
	s8 =	simm.s32 @!p0 $0x1BF5;
	p2 =	por !p2, p0  }
0x20: {  	[sflag:s8] =	ssyncset.s32 @!p0 $0xFFFFF086;
	s6 =	sadd.s32 @!p0 s3, s7;
	s7 =	simm.s32 @!p0 $0x108  }
0x21: {  	s3 =	sadd.s32 s3, s9;
	s6 =	sadd.s32 @!p0 $0x88, s6;
	s7 =	simm.s32 @p2 $0x1082  }
0x22: {  	[simem:s7], [sflag:s8] =	dma.local @!p0 [hbm:s6], $0xF7A  }
0x23: {  	s9 =	sor.u32 $0xD0000000, s2;
	s6 =	simm.s32 $0x108;
	_ =	swait.ge @!p0 [sflag:s8], $0x0  }
0x24: {  	s3 =	sadd.s32 $0x88, s3;
	s6 =	simm.s32 @!p1 $0x1082;
	[sflag:s4] =	ssyncset.s32 $0xFFFFF086  }
0x25: {  	[simem:s6], [sflag:s4] =	dma.local [hbm:s3], $0xF7A  }
0x26: {  	[smem:$0x3F95] =	sst s1;
	(tag) =	ssettag s2;
	_ =	strace s9  }
0x27: {  	s1 =	sld [smem:$0x3FA5]  }
0x28: {  	s2 =	sld [smem:$0x3FA6]  }
0x29: {  	s4 =	sld [smem:$0x3FA8]  }
0x2a: {  	p0 =	seq.s32 s5, $0x0;
	s5 =	sld [smem:$0x3FA9]  }
0x2b: {  	s6 =	sld [smem:$0x3FAA]  }
0x2c: {  	s7 =	sld [smem:$0x3FAB]  }
0x2d: {  	s3 =	simm.s32 $0x108;
	s8 =	sld [smem:$0x3FAC]  }
0x2e: {  	s3 =	simm.s32 @!p0 $0x1082;
	s9 =	sld [smem:$0x3FAD]  }
0x2f: {  	lr =	sadd.s32 s0, s3;
	s0 =	sld [smem:$0x3FA4]  }
0x30: {  	s3 =	sld [smem:$0x3FA7]  }
0x31: {  	[smem:$0x3FB0] =	sst s10  }
0x32: {  	s10 =	sld [smem:$0x3FAE];
	_ =	sdelay $0x3  }
0x33: {  	p0 =	seq.s32 s10, $0x1;
	s10 =	sld [smem:$0x3FB0];
	_ =	sdelay $0x3  }
0x34: {  	[smem:$0x3FB0] =	sst s10  }
0x35: {  	s10 =	sld [smem:$0x3FAF];
	_ =	sdelay $0x3  }
0x36: {  	p1 =	seq.s32 s10, $0x1;
	s10 =	sld [smem:$0x3FB0];
	_ =	sdelay $0x3  }
0x37: {  	[smem:$0x3FB0] =	sst s10  }
0x38: {  	s10 =	sld [smem:$0x3FB1]  }
0x39: {  	_ = 	snop;
	(pc) =	sbr.ind lr, $3  }
0x3a: {  	_ = 	snop  }
0x3b: {  	_ = 	snop  }
0x3c: {  	p2 =	seq.s32 s10, $0x1;
	s10 =	sld [smem:$0x3FB0]  }
0x3d: {  	_ =	shalt  }
0x3e: {  	_ =	shalt  }
0x3f: {  	_ =	shalt  }
0x40: {  	_ =	shalt  }
0x41: {  	_ =	shalt  }
0x42: {  	_ =	shalt  }
0x43: {  	_ =	shalt  }
0x44: {  	_ =	shalt  }
0x45: {  	_ =	shalt  }
0x46: {  	_ =	shalt  }
0x47: {  	_ =	shalt  }
0x48: {  	_ =	shalt  }
0x49: {  	_ =	shalt  }
0x4a: {  	_ =	shalt  }
0x4b: {  	_ =	shalt  }
0x4c: {  	_ =	shalt  }
0x4d: {  	_ =	shalt  }
0x4e: {  	_ =	shalt  }
0x4f: {  	_ =	shalt  }
0x50: {  	_ =	shalt  }
0x51: {  	_ =	shalt  }
0x52: {  	_ =	shalt  }
0x53: {  	_ =	shalt  }
0x54: {  	_ =	shalt  }
0x55: {  	_ =	shalt  }
0x56: {  	_ =	shalt  }
0x57: {  	_ =	shalt  }
0x58: {  	_ =	shalt  }
0x59: {  	_ =	shalt  }
0x5a: {  	_ =	shalt  }
0x5b: {  	_ =	shalt  }
0x5c: {  	_ =	shalt  }
0x5d: {  	_ =	shalt  }
0x5e: {  	_ =	shalt  }
0x5f: {  	_ =	shalt  }
0x60: {  	_ =	shalt  }
0x61: {  	_ =	shalt  }
0x62: {  	_ =	shalt  }
0x63: {  	_ =	shalt  }
0x64: {  	_ =	shalt  }
0x65: {  	_ =	shalt  }
0x66: {  	_ =	shalt  }
0x67: {  	_ =	shalt  }
0x68: {  	_ =	shalt  }
0x69: {  	_ =	shalt  }
0x6a: {  	_ =	shalt  }
0x6b: {  	_ =	shalt  }
0x6c: {  	_ =	shalt  }
0x6d: {  	_ =	shalt  }
0x6e: {  	_ =	shalt  }
0x6f: {  	_ =	shalt  }
0x70: {  	_ =	shalt  }
0x71: {  	_ =	shalt  }
0x72: {  	_ =	shalt  }
0x73: {  	_ =	shalt  }
0x74: {  	_ =	shalt  }
0x75: {  	_ =	shalt  }
0x76: {  	_ =	shalt  }
0x77: {  	_ =	shalt  }
0x78: {  	_ =	shalt  }
0x79: {  	_ =	shalt  }
0x7a: {  	_ =	shalt  }
0x7b: {  	_ =	shalt  }
0x7c: {  	_ =	shalt  }
0x7d: {  	_ =	shalt  }
0x7e: {  	_ =	shalt  }
0x7f: {  	_ =	shalt  }
0x80: {  	_ =	shalt  }
0x81: {  	_ =	shalt  }
0x82: {  	_ =	shalt  }
0x83: {  	_ =	shalt  }
0x84: {  	_ =	shalt  }
0x85: {  	_ =	shalt  }
0x86: {  	_ =	shalt  }
0x87: {  	_ =	shalt  }
.Lfunc_end0:
.L_simem_size_0:
called_computation.1_lowered:
.L_overlay_start_0:
0x88: {  	s2 =	sld [smem:$0x3FD9]  }
0x89: {  	s3 =	sld [smem:$0x3FFE];
	_ =	sdelay $0x1  }
0x8a: {  	s1 =	srdreg.scid  }
0x8b: {  	s0 =	sand.u32 $0x1, s1  }
0x8c: {  	s17 =	sshll.u32 s0, $0xA;
	s2 =	sadd.s32 s3, s2  }
0x8d: {  	s2 =	sadd.s32 s2, s17  }
0x8e: {  	[smem:$0x3FBC] =	sst s2  }
0x8f: {  	_ = 	snop  }
0x90: {  	s18 =	sld [smem:$0x3FD0];
	(tm) =	ssettm $0x1  }
0x91: {  	s19 =	sld [smem:$0x3FFB];
	_ =	sdelay $0x3  }
0x92: {  	_ =	strace s19  }
0x93: {  	s2 =	sld [smem:$0x3FFC];
	_ =	sdelay $0x3  }
0x94: {  	_ =	strace s2  }
0x95: {  	s2 =	sld [smem:$0x3FFD];
	_ =	sdelay $0x3  }
0x96: {  	_ =	strace s2  }
0x97: {  	_ =	strace $0x8FFFFFFF  }
0x98: {  	s20 =	sld [smem:$0x3FDB];
	_ =	sdelay $0x1  }
0x99: {  	s4 =	simm.s32 $_scs_section_size  }
0x9a: {  	s5 =	simm.s32 $_size__tile_overlayer_lowered;
	s6 =	simm.s32 $_tile_overlayer_lowered  }
0x9b: {  	s7 =	simm.s32 $0x1BFF;
	s21 =	sshll.u32 s6, $0x1;
	s4 =	sadd.s32 s4, s20  }
0x9c: {  	s22 =	simm.s32 $0x0;
	s5 =	sshll.u32 s5, $0x1;
	s6 =	sadd.s32 s21, s4  }
0x9d: {  	[timem:s22], [sflag:s7] =	dma.local [hbm:s6], s5  }
0x9e: {  	_ =	swait.ge [sflag:s7], s5  }
0x9f: {  	s5 =	ssub.s32 $0x0, s5;
	[sflag:s7] =	ssyncset.done $0x0  }
0xa0: {  	[sflag:s7] =	ssyncadd.s32 s5;
	_ =	sdelay $0x1  }
0xa1: {  	s23 =	simm.s32 $0x1B8B  }
0xa2: {  	_ =	swait.ge [sflag:s23], $0x1  }
0xa3: {  	[sflag:s23] =	ssyncset.done $0x0  }
0xa4: {  	[sflag:s23] =	ssyncadd.s32 $0xFFFFFFFF  }
0xa5: {  	s5 =	sld [smem:$0x0]  }
0xa6: {  	s6 =	sand.u32 $0xFFFFFFFE, s1  }
0xa7: {  	p0 =	sne.s32 s1, s6  }
0xa8: {  	s6 =	sshll.u32 @p0 s6, $0xE  }
0xa9: {  	s6 =	sadd.s32 @p0 $0x11B8D, s6;
	s7 =	sshll.u32 @p0 s5, $0x11  }
0xaa: {  	s6 =	sor.u32 @p0 s7, s6  }
0xab: {  	[sflag:s6] =	ssyncadd.remote.s32 @p0 $0x1;
	_ =	sdelay $0x1  }
0xac: {  	s6 =	simm.s32 @p0 $0x1B8D  }
0xad: {  	_ =	swait.eq @p0 [sflag:s6], $0x1  }
0xae: {  	[sflag:s6] =	ssyncadd.s32 @p0 $0xFFFFFFFF  }
0xaf: {  	s7 =	sshll.u32 @!p0 s1, $0xE  }
0xb0: {  	s7 =	sor.u32 @!p0 $0x4000, s7;
	s6 =	simm.s32 @!p0 $0x1B8D  }
0xb1: {  	s5 =	sshll.u32 @!p0 s5, $0x11;
	s7 =	sadd.s32 @!p0 $0x11B8D, s7;
	_ =	swait.eq @!p0 [sflag:s6], $0x1  }
0xb2: {  	s5 =	sor.u32 @!p0 s5, s7;
	[sflag:s6] =	ssyncadd.s32 @!p0 $0xFFFFFFFF  }
0xb3: {  	s25 =	simm.s32 $0x1B8E;
	s24 =	sld [smem:$0x3FFE];
	[sflag:s5] =	ssyncadd.remote.s32 @!p0 $0x1  }
0xb4: {  	s26 =	simm.s32 $execute0_lowered;
	[smem:$0x3FD2] =	sst s25  }
0xb5: {  	s6 =	sshll.u32 s26, $0x1;
	_ =	strace $0x80000049;
	[dreg:$0x1] =	wrdreg $0xFFFFFFFF  }
0xb6: {  	s28 =	simm.s32 $_size_execute0_lowered;
	s4 =	sadd.s32 s4, s6;
	[dreg:$0x0] =	wrdreg $0x0  }
0xb7: {  	s6 =	sshll.u32 s28, $0x1;
	[dreg:$0x2] =	wrdreg s4  }
0xb8: {  	[dreg:$0x3] =	wrdreg s6  }
0xb9: {  	[dreg:$0x4] =	wrdreg $0xC0  }
0xba: {  	_ =	task [dreg:s22], $0x5FFFF  }
0xbb: {  	[dreg:$0x1] =	wrdreg $0xFFFFFFFF  }
0xbc: {  	[dreg:$0x0] =	wrdreg $0x60  }
0xbd: {  	[dreg:$0x2] =	wrdreg s24  }
0xbe: {  	[dreg:$0x3] =	wrdreg s18  }
0xbf: {  	[dreg:$0x4] =	wrdreg $0x2AE00  }
0xc0: {  	[dreg:$0x5] =	wrdreg $0xA  }
0xc1: {  	_ =	task.clear_ibuf [dreg:s22], $0x6FFFF;
	_ =	strace $0x90000049  }
0xc2: {  	s29 =	simm.s32 $0xA;
	_ =	strace $0x8000004B  }
0xc3: {  	_ =	swait.ge [sflag:s29], $0x1  }
0xc4: {  	[sflag:s29] =	ssyncadd.s32 $0xFFFFFFFF  }
0xc5: {  	_ =	strace $0x9000004B  }
0xc6: {  	_ =	sfence  }
0xc7: {  	s30 =	sld [smem:$0x0];
	_ =	sdelay $0x2  }
0xc8: {  	s31 =	sshll.u32 s1, $0xD;
	s1 =	sshrl.u32 s1, $0x2  }
0xc9: {  	s4 =	sand.u32 $0x4000, s31;
	s1 =	sadd.s32 s1, s30  }
0xca: {  	s0 =	sor.u32 s4, s0;
	s1 =	sshll.u32 s1, $0x11  }
0xcb: {  	s0 =	sor.u32 s1, s0  }
0xcc: {  	s0 =	sadd.s32 $0x8F2B, s0  }
0xcd: {  	[sflag:s0] =	ssyncadd.remote.s32 $0x1  }
0xce: {  	_ =	sfence.sel $0xFFFF  }
0xcf: {  	[dreg:$0x0] =	wrdreg $0xFFFFFFFF;
	(pc) =	sbr.abs _section_cstart, $3  }
0xd0: {  	[dreg:$0x1] =	wrdreg $0xFFFFFFFF  }
0xd1: {  	_ =	task.clear_ibuf [dreg:s22], $0x2FFFF;
	_ =	strace $0x9FFFFFFF  }
0xd2: {  	(tm) =	ssettm $0x7FFFFFFF  }
0xd3: {  	_ =	shalt  }
tec
execute0_lowered:
.L_overlay_start_1:
0x0: {  	(tag) =	ssettag $0x1  }
0x1: {  	s6 =	rddreg [dreg:$0x0]  }
0x2: {  	s2 =	rddreg [dreg:$0x1];
	s0 =	srdreg.scid  }
0x3: {  	s3 =	rddreg [dreg:$0x2];
	s1 =	stileid.u32  }
0x4: {  	s4 =	simm.s32 $0x0;
	s13 =	simm.s32 $0x38;
	s14 =	simm.s32 $0x1  }
0x5: {  	s15 =	simm.s32 $0x0;
	s5 =	sand.u32 $0x1, s0;
	s0 =	rddreg [dreg:$0x3]  }
0x6: {  	s8 =	smul.u32 $0x2780, s1;
	[smem:$0x7FF] =	sst s4;
	s31 =	sshll.u32 s1, $0x6  }
0x7: {  	s7 =	sshll.u32 s5, $0x4;
	s9 =	smul.u32 $0x27800, s5;
	_ =	strace $0x8000004A  }
0x8: {  	s10 =	ssub.s32 $0x2, s5;
	s5 =	sadd.s32 $0x67800, s6;
	s7 =	sor.u32 s1, s7  }
0x9: {  	s11 =	sshrl.u32 s10, $0x1;
	s12 =	sadd.s32 s8, s3;
	s7 =	smul.u32 $0x4EC, s7  }
0xa: {  	s9 =	sadd.s32 s8, s9;
	s10 =	ssub.s32 s10, s11;
	s11 =	sor.u32 $0x1C02, s31  }
0xb: {  	s12 =	sshrl.u32 s12, $0x3;
	s9 =	sshrl.u32 s9, $0x3;
	s8 =	smax.u32 s10, $0x1  }
0xc: {  	s10 =	simm.s32 $0x2760;
	s7 =	sadd.s32 s7, s6;
	s9 =	sadd.s32 s9, s6  }
0xd: {  	s6 =	sadd.s32 $0xC200, s7;
	s7 =	sadd.s32 $0x67A00, s9;
	s9 =	simm.s32 $0x2  }
.LBB2_1:
0xe: {  	[tilespmem:s4], [sflag:$0x2] =	stream.linear.gather [hbm4b:s6+s4], $0x2760, $0x38;
	[tilespmem:$0x5260] =	vst v63  }
0xf: {  	_ =	swait.ge [sflag:s9], $0x2760  }
0x10: {  	[sflag:s9] =	ssyncset.done $0x0  }
0x11: {  	[sflag:s9] =	ssyncadd.s32 $0xFFFFD8A0  }
0x12: {  	[tilespmem:s10], [sflag:$0x2] =	stream.linear.gather [hbm4b:s5+s4], $0x380, $0x38;
	[tilespmem:$0x5260] =	vst v63  }
0x13: {  	_ =	swait.ge [sflag:s9], $0x380  }
0x14: {  	[sflag:s9] =	ssyncset.done $0x0  }
0x15: {  	[sflag:s9] =	ssyncadd.s32 $0xFFFFFC80  }
0x16: {  	[spmem:s12], [sflag:s11] =	dma.local [hbm:s2], $0x4F0  }
0x17: {  	_ =	swait.ge [sflag:s9], $0x4F0  }
0x18: {  	[sflag:s9] =	ssyncset.done $0x0  }
0x19: {  	[sflag:s9] =	ssyncadd.s32 $0xFFFFFB10  }
0x1a: {  	s16 =	simm.s32 $0x0;
	[bflag:$0x0] =	sbarrier.arrive $0xFFFF  }
.LBB2_2:
0x1b: {  	p0 =	sne.s32 s16, $0x9CA0  }
.Ltmp0:
0x1c: {  	_ = 	snop;
	(pc) =	sbr.rel @p0 .LBB2_2-.Ltmp0, $3  }
0x1d: {  	_ =	sdelay $0x1  }
0x1e: {  	s17 =	sshra.s32 s16, $0x2;
	s16 =	sadd.s32 $0xE0, s16  }
0x1f: {  	[spmem:s3] =	stream.indirect.scatter.add.f32 [tilespmem:s10], [sflag:$0x1], $0x10, s17, s13, $0xb8;
	[tilespmem:$0x5260] =	vst v63  }
0x20: {  	_ =	swait.ge [sflag:s14], $0x380  }
0x21: {  	s16 =	simm.s32 $0xB3;
	[sflag:s14] =	ssyncset.done $0x0  }
.LBB2_4:
0x22: {  	p0 =	sne.s32 s16, $0x1;
	s16 =	sadd.s32 $0xFFFFFFFF, s16;
	[sflag:s14] =	ssyncadd.s32 $0xFFFFFC80  }
.Ltmp1:
0x23: {  	(pc) =	sbr.rel @p0 .LBB2_4-.Ltmp1, $3  }
0x24: {  	_ =	sdelay $0x1  }
0x25: {  	_ =	swait.ge [sflag:s14], $0x380  }
0x26: {  	[sflag:s14] =	ssyncset.done $0x0  }
0x27: {  	s15 =	sadd.s32 $0x1, s15  }
0x28: {  	[sflag:s14] =	ssyncadd.s32 $0xFFFFFC80;
	p0 =	sne.s32 s15, s8  }
.Ltmp2:
0x29: {  	[bflag:$0x0] =	sbarrier.arrive $0xFFFF;
	(pc) =	sbr.rel @p0 .LBB2_1-.Ltmp2, $4  }
0x2a: {  	[hbm:s7], [sflag:s11] =	dma.local [spmem:s12], $0x4F0  }
0x2b: {  	_ =	swait.ge [sflag:s9], $0x4F0  }
0x2c: {  	[sflag:s9] =	ssyncset.done $0x0  }
0x2d: {  	[sflag:s9] =	ssyncadd.s32 $0xFFFFFB10  }
0x2e: {  	_ =	sfence.sel $0x180000  }
0x2f: {  	[bflag:$0x0] =	sbarrier.arrive $0xFFFF  }
0x30: {  	p0 =	sne.s32 s1, $0x0;
	_ =	strace $0x9000004A  }
0x31: {  	s0 =	sadd.s32 @!p0 $0x100000, s0;
	[bflag:$0x2] =	sbarrier.arrive $0xFFFF  }
0x32: {  	[sflag:s0] =	ssyncadd.tile.s32 @!p0 $0x1;
	_ =	shalt  }
.Lfunc_end2:
_tile_overlayer_lowered:
.L_overlay_start_2:
0x33: {  	(tag) =	ssettag $0x2  }
0x34: {  	s0 =	rddreg [dreg:$0x0];
	s2 =	stileid.u32  }
0x35: {  	s1 =	rddreg [dreg:$0x1];
	p0 =	sne.s32 s2, $0x0  }
0x36: {  	s3 =	rddreg [dreg:$0x2];
	[bflag:$0x3] =	sbarrier.arrive $0xFFFF;
	s2 =	simm.s32 @!p0 $0x1C02  }
0x37: {  	[timem:s3], [sflag:s2] =	dma.local @!p0 [hbm:s0], s1  }
0x38: {  	s0 =	simm.s32 @!p0 $0x2  }
0x39: {  	_ =	swait.ge @!p0 [sflag:s0], s1  }
0x3a: {  	s1 =	ssub.s32 @!p0 $0x0, s1;
	[sflag:s0] =	ssyncset.done @!p0 $0x0  }
0x3b: {  	[sflag:s0] =	ssyncadd.s32 @!p0 s1  }
0x3c: {  	[bflag:$0x3] =	sbarrier.arrive $0xFFFF  }
0x3d: {  	_ =	shalt  }

// kernel: kernel.13.cloned.1.call-start
scs
__scs_entry_jumppad:
0x0: {  	(pc) =	sbr.rel $0x88, $3  }
0x1: {  	(tag) =	ssettag $0x0;
	lr =	simm.s32 $0x1  }
0x2: {  	[smem:$0x3F95] =	sst lr;
	_ =	strace $0xD0000000  }
0x3: {  	_ = 	snop  }
0x4: {  	_ = 	snop  }
0x5: {  	_ = 	snop  }
0x6: {  	_ = 	snop  }
0x7: {  	_ = 	snop  }
__scs_overlays_trampoline_lowered:
0x8: {  	[smem:$0x3FA4] =	sst s0  }
0x9: {  	[smem:$0x3FA5] =	sst s1  }
0xa: {  	[smem:$0x3FA6] =	sst s2  }
0xb: {  	[smem:$0x3FA7] =	sst s3  }
0xc: {  	[smem:$0x3FA8] =	sst s4  }
0xd: {  	[smem:$0x3FA9] =	sst s5  }
0xe: {  	[smem:$0x3FAA] =	sst s6  }
0xf: {  	[smem:$0x3FAB] =	sst s7  }
0x10: {  	[smem:$0x3FAC] =	sst s8  }
0x11: {  	[smem:$0x3FAD] =	sst s9;
	s0 =	simm.s32 @!p0 $0x0  }
0x12: {  	s1 =	sld [smem:$0x3F93];
	s0 =	simm.s32 @p0 $0x1  }
0x13: {  	[smem:$0x3FAE] =	sst s0;
	s0 =	simm.s32 @!p1 $0x0  }
0x14: {  	s2 =	sld [smem:$0x3F92];
	s0 =	simm.s32 @p1 $0x1  }
0x15: {  	[smem:$0x3FAF] =	sst s0;
	s0 =	simm.s32 @!p2 $0x0  }
0x16: {  	s3 =	sld [smem:$0x3FDB];
	s0 =	simm.s32 @p2 $0x1  }
0x17: {  	s4 =	simm.s32 $0x1BF5;
	[smem:$0x3FB1] =	sst s0  }
0x18: {  	s0 =	sld [smem:$0x3F94];
	_ =	swait.ge [sflag:s4], $0x0  }
0x19: {  	s7 =	sld [smem:$0x3F95]  }
0x1a: {  	s8 =	sadd.s32 $0xFFFFE003, lr  }
0x1b: {  	s9 =	sadd.s32 $0xFFFFFEF7, lr;
	s5 =	simm.s32 $0xFFFFFFFF;
	p2 =	slt.u32 s8, $0xFFFFF086  }
0x1c: {  	p1 =	slt.u32 s9, $0xF7A;
	s5 =	simm.s32 @!p2 $0x0  }
0x1d: {  	s5 =	simm.s32 @p1 $0x1;
	p0 =	seq.s32 s7, s2  }
0x1e: {  	s7 =	smul.u32 @!p0 $0xF7A, s2;
	p2 =	seq.s32 @!p0 s5, $0x0  }
0x1f: {  	s9 =	smul.u32 $0xF7A, s1;
	s8 =	simm.s32 @!p0 $0x1BF5;
	p2 =	por !p2, p0  }
0x20: {  	[sflag:s8] =	ssyncset.s32 @!p0 $0xFFFFF086;
	s6 =	sadd.s32 @!p0 s3, s7;
	s7 =	simm.s32 @!p0 $0x108  }
0x21: {  	s3 =	sadd.s32 s3, s9;
	s6 =	sadd.s32 @!p0 $0x88, s6;
	s7 =	simm.s32 @p2 $0x1082  }
0x22: {  	[simem:s7], [sflag:s8] =	dma.local @!p0 [hbm:s6], $0xF7A  }
0x23: {  	s9 =	sor.u32 $0xD0000000, s2;
	s6 =	simm.s32 $0x108;
	_ =	swait.ge @!p0 [sflag:s8], $0x0  }
0x24: {  	s3 =	sadd.s32 $0x88, s3;
	s6 =	simm.s32 @!p1 $0x1082;
	[sflag:s4] =	ssyncset.s32 $0xFFFFF086  }
0x25: {  	[simem:s6], [sflag:s4] =	dma.local [hbm:s3], $0xF7A  }
0x26: {  	[smem:$0x3F95] =	sst s1;
	(tag) =	ssettag s2;
	_ =	strace s9  }
0x27: {  	s1 =	sld [smem:$0x3FA5]  }
0x28: {  	s2 =	sld [smem:$0x3FA6]  }
0x29: {  	s4 =	sld [smem:$0x3FA8]  }
0x2a: {  	p0 =	seq.s32 s5, $0x0;
	s5 =	sld [smem:$0x3FA9]  }
0x2b: {  	s6 =	sld [smem:$0x3FAA]  }
0x2c: {  	s7 =	sld [smem:$0x3FAB]  }
0x2d: {  	s3 =	simm.s32 $0x108;
	s8 =	sld [smem:$0x3FAC]  }
0x2e: {  	s3 =	simm.s32 @!p0 $0x1082;
	s9 =	sld [smem:$0x3FAD]  }
0x2f: {  	lr =	sadd.s32 s0, s3;
	s0 =	sld [smem:$0x3FA4]  }
0x30: {  	s3 =	sld [smem:$0x3FA7]  }
0x31: {  	[smem:$0x3FB0] =	sst s10  }
0x32: {  	s10 =	sld [smem:$0x3FAE];
	_ =	sdelay $0x3  }
0x33: {  	p0 =	seq.s32 s10, $0x1;
	s10 =	sld [smem:$0x3FB0];
	_ =	sdelay $0x3  }
0x34: {  	[smem:$0x3FB0] =	sst s10  }
0x35: {  	s10 =	sld [smem:$0x3FAF];
	_ =	sdelay $0x3  }
0x36: {  	p1 =	seq.s32 s10, $0x1;
	s10 =	sld [smem:$0x3FB0];
	_ =	sdelay $0x3  }
0x37: {  	[smem:$0x3FB0] =	sst s10  }
0x38: {  	s10 =	sld [smem:$0x3FB1]  }
0x39: {  	_ = 	snop;
	(pc) =	sbr.ind lr, $3  }
0x3a: {  	_ = 	snop  }
0x3b: {  	_ = 	snop  }
0x3c: {  	p2 =	seq.s32 s10, $0x1;
	s10 =	sld [smem:$0x3FB0]  }
0x3d: {  	_ =	shalt  }
0x3e: {  	_ =	shalt  }
0x3f: {  	_ =	shalt  }
0x40: {  	_ =	shalt  }
0x41: {  	_ =	shalt  }
0x42: {  	_ =	shalt  }
0x43: {  	_ =	shalt  }
0x44: {  	_ =	shalt  }
0x45: {  	_ =	shalt  }
0x46: {  	_ =	shalt  }
0x47: {  	_ =	shalt  }
0x48: {  	_ =	shalt  }
0x49: {  	_ =	shalt  }
0x4a: {  	_ =	shalt  }
0x4b: {  	_ =	shalt  }
0x4c: {  	_ =	shalt  }
0x4d: {  	_ =	shalt  }
0x4e: {  	_ =	shalt  }
0x4f: {  	_ =	shalt  }
0x50: {  	_ =	shalt  }
0x51: {  	_ =	shalt  }
0x52: {  	_ =	shalt  }
0x53: {  	_ =	shalt  }
0x54: {  	_ =	shalt  }
0x55: {  	_ =	shalt  }
0x56: {  	_ =	shalt  }
0x57: {  	_ =	shalt  }
0x58: {  	_ =	shalt  }
0x59: {  	_ =	shalt  }
0x5a: {  	_ =	shalt  }
0x5b: {  	_ =	shalt  }
0x5c: {  	_ =	shalt  }
0x5d: {  	_ =	shalt  }
0x5e: {  	_ =	shalt  }
0x5f: {  	_ =	shalt  }
0x60: {  	_ =	shalt  }
0x61: {  	_ =	shalt  }
0x62: {  	_ =	shalt  }
0x63: {  	_ =	shalt  }
0x64: {  	_ =	shalt  }
0x65: {  	_ =	shalt  }
0x66: {  	_ =	shalt  }
0x67: {  	_ =	shalt  }
0x68: {  	_ =	shalt  }
0x69: {  	_ =	shalt  }
0x6a: {  	_ =	shalt  }
0x6b: {  	_ =	shalt  }
0x6c: {  	_ =	shalt  }
0x6d: {  	_ =	shalt  }
0x6e: {  	_ =	shalt  }
0x6f: {  	_ =	shalt  }
0x70: {  	_ =	shalt  }
0x71: {  	_ =	shalt  }
0x72: {  	_ =	shalt  }
0x73: {  	_ =	shalt  }
0x74: {  	_ =	shalt  }
0x75: {  	_ =	shalt  }
0x76: {  	_ =	shalt  }
0x77: {  	_ =	shalt  }
0x78: {  	_ =	shalt  }
0x79: {  	_ =	shalt  }
0x7a: {  	_ =	shalt  }
0x7b: {  	_ =	shalt  }
0x7c: {  	_ =	shalt  }
0x7d: {  	_ =	shalt  }
0x7e: {  	_ =	shalt  }
0x7f: {  	_ =	shalt  }
0x80: {  	_ =	shalt  }
0x81: {  	_ =	shalt  }
0x82: {  	_ =	shalt  }
0x83: {  	_ =	shalt  }
0x84: {  	_ =	shalt  }
0x85: {  	_ =	shalt  }
0x86: {  	_ =	shalt  }
0x87: {  	_ =	shalt  }
.Lfunc_end0:
.L_simem_size_0:
called_computation.2_lowered:
.L_overlay_start_0:
0x88: {  	s2 =	sld [smem:$0x3FD9]  }
0x89: {  	s3 =	sld [smem:$0x3FFE];
	_ =	sdelay $0x1  }
0x8a: {  	s1 =	srdreg.scid  }
0x8b: {  	s0 =	sand.u32 $0x1, s1  }
0x8c: {  	s17 =	sshll.u32 s0, $0xA;
	s2 =	sadd.s32 s3, s2  }
0x8d: {  	s2 =	sadd.s32 s2, s17  }
0x8e: {  	[smem:$0x3FBC] =	sst s2  }
0x8f: {  	_ = 	snop  }
0x90: {  	s2 =	sld [smem:$0x3FD0];
	(tm) =	ssettm $0x1  }
0x91: {  	s18 =	sld [smem:$0x3FFB];
	_ =	sdelay $0x3  }
0x92: {  	_ =	strace s18  }
0x93: {  	s3 =	sld [smem:$0x3FFC];
	_ =	sdelay $0x3  }
0x94: {  	_ =	strace s3  }
0x95: {  	s3 =	sld [smem:$0x3FFD];
	_ =	sdelay $0x3  }
0x96: {  	_ =	strace s3  }
0x97: {  	_ =	strace $0x8FFFFFFF  }
0x98: {  	s19 =	sld [smem:$0x3FDB];
	_ =	sdelay $0x1  }
0x99: {  	s4 =	simm.s32 $_scs_section_size  }
0x9a: {  	s5 =	simm.s32 $_size__tile_overlayer_lowered;
	s6 =	simm.s32 $_tile_overlayer_lowered  }
0x9b: {  	s22 =	simm.s32 $0x1BFF;
	s21 =	sshll.u32 s6, $0x1;
	s3 =	sadd.s32 s4, s19  }
0x9c: {  	s7 =	simm.s32 $0x0;
	s20 =	sshll.u32 s5, $0x1;
	s5 =	sadd.s32 s21, s3  }
0x9d: {  	[timem:s7], [sflag:s22] =	dma.local [hbm:s5], s20  }
0x9e: {  	_ =	swait.ge [sflag:s22], s20  }
0x9f: {  	s4 =	ssub.s32 $0x0, s20;
	[sflag:s22] =	ssyncset.done $0x0  }
0xa0: {  	[sflag:s22] =	ssyncadd.s32 s4;
	_ =	sdelay $0x1  }
0xa1: {  	s23 =	simm.s32 $0x1B8B  }
0xa2: {  	_ =	swait.ge [sflag:s23], $0x1  }
0xa3: {  	[sflag:s23] =	ssyncset.done $0x0  }
0xa4: {  	s25 =	simm.s32 $0x1B8E;
	s24 =	sld [smem:$0x3FFE];
	[sflag:s23] =	ssyncadd.s32 $0xFFFFFFFF  }
0xa5: {  	s26 =	simm.s32 $execute0_lowered;
	[smem:$0x3FD2] =	sst s25  }
0xa6: {  	s5 =	sshll.u32 s26, $0x1;
	_ =	strace $0x8000004C;
	[dreg:$0x1] =	wrdreg $0xFFFFFFFF  }
0xa7: {  	s28 =	simm.s32 $_size_execute0_lowered;
	s3 =	sadd.s32 s3, s5;
	[dreg:$0x0] =	wrdreg $0x0  }
0xa8: {  	s5 =	sshll.u32 s28, $0x1;
	[dreg:$0x2] =	wrdreg s3  }
0xa9: {  	[dreg:$0x3] =	wrdreg s5  }
0xaa: {  	[dreg:$0x4] =	wrdreg $0xC0  }
0xab: {  	_ =	task [dreg:s7], $0x5FFFF  }
0xac: {  	[dreg:$0x1] =	wrdreg $0xFFFFFFFF  }
0xad: {  	[dreg:$0x0] =	wrdreg $0x60  }
0xae: {  	[dreg:$0x2] =	wrdreg s24  }
0xaf: {  	[dreg:$0x3] =	wrdreg s2  }
0xb0: {  	[dreg:$0x4] =	wrdreg $0x5CC00  }
0xb1: {  	[dreg:$0x5] =	wrdreg $0x9  }
0xb2: {  	_ =	task.clear_ibuf [dreg:s7], $0x6FFFF;
	_ =	strace $0x9000004C  }
0xb3: {  	s29 =	simm.s32 $0x9;
	_ =	strace $0x8000004E  }
0xb4: {  	_ =	swait.ge [sflag:s29], $0x1  }
0xb5: {  	[sflag:s29] =	ssyncadd.s32 $0xFFFFFFFF  }
0xb6: {  	_ =	strace $0x9000004E  }
0xb7: {  	_ =	sfence  }
0xb8: {  	s30 =	sld [smem:$0x0];
	_ =	sdelay $0x2  }
0xb9: {  	s31 =	sshll.u32 s1, $0xD;
	s1 =	sshrl.u32 s1, $0x2  }
0xba: {  	s3 =	sand.u32 $0x4000, s31;
	s1 =	sadd.s32 s1, s30  }
0xbb: {  	s0 =	sor.u32 s3, s0;
	s1 =	sshll.u32 s1, $0x11  }
0xbc: {  	s0 =	sor.u32 s1, s0  }
0xbd: {  	s0 =	sadd.s32 $0x8F2B, s0  }
0xbe: {  	[sflag:s0] =	ssyncadd.remote.s32 $0x1  }
0xbf: {  	_ =	sfence.sel $0xFFFF  }
0xc0: {  	[dreg:$0x0] =	wrdreg $0xFFFFFFFF;
	(pc) =	sbr.abs _section_cstart, $3  }
0xc1: {  	[dreg:$0x1] =	wrdreg $0xFFFFFFFF  }
0xc2: {  	_ =	task.clear_ibuf [dreg:s7], $0x2FFFF;
	_ =	strace $0x9FFFFFFF  }
0xc3: {  	(tm) =	ssettm $0x7FFFFFFF  }
tec
execute0_lowered:
.L_overlay_start_1:
0x0: {  	(tag) =	ssettag $0x1  }
0x1: {  	s0 =	rddreg [dreg:$0x0]  }
0x2: {  	s3 =	rddreg [dreg:$0x2];
	s1 =	srdreg.scid  }
0x3: {  	s12 =	stileid.u32;
	s4 =	simm.s32 $0x0;
	s10 =	simm.s32 $0x9  }
0x4: {  	s11 =	simm.s32 $0x2760;
	s14 =	simm.s32 $0x38;
	s15 =	simm.s32 $0x4EC0  }
0x5: {  	s16 =	simm.s32 $0x5240;
	s18 =	simm.s32 $0x55C0;
	s20 =	simm.s32 $0x5940  }
0x6: {  	s21 =	simm.s32 $0x1;
	s22 =	simm.s32 $0x5;
	s24 =	simm.s32 $0x2  }
0x7: {  	s29 =	simm.s32 $0x3;
	s30 =	simm.s32 $0x27D0;
	s31 =	simm.s32 $0x7  }
0x8: {  	s17 =	simm.s32 $0x8;
	s19 =	simm.s32 $0x0;
	s1 =	sand.u32 $0x1, s1  }
0x9: {  	s2 =	smul.u32 $0x2780, s12;
	[smem:$0x7FF] =	sst s4;
	s28 =	sshll.u32 s12, $0x6  }
0xa: {  	s5 =	sshll.u32 s1, $0x4;
	s6 =	smul.u32 $0x27800, s1;
	s1 =	ssub.s32 $0x2, s1  }
0xb: {  	_ =	strace $0x8000004D;
	s5 =	sor.u32 s12, s5;
	s26 =	sshrl.u32 s1, $0x1  }
0xc: {  	s12 =	sor.u32 $0x1C09, s28;
	s7 =	smul.u32 $0x4EC, s5;
	s6 =	sadd.s32 s2, s6  }
0xd: {  	s5 =	sadd.s32 $0xB3200, s0;
	s1 =	ssub.s32 s1, s26;
	s2 =	sadd.s32 s2, s3  }
0xe: {  	s26 =	simm.s32 $0x6;
	s6 =	sshrl.u32 s6, $0x3;
	s9 =	smax.u32 s1, $0x1  }
0xf: {  	s13 =	sshrl.u32 s2, $0x3;
	s1 =	simm.s32 $0x4;
	s7 =	sadd.s32 s7, s0  }
0x10: {  	s2 =	simm.s32 $0x2808;
	s0 =	sadd.s32 s6, s0;
	s6 =	sadd.s32 $0x2400, s7  }
0x11: {  	s7 =	sadd.s32 $0xC200, s7;
	s8 =	sadd.s32 $0xB8200, s0;
	s0 =	simm.s32 $0x150  }
.LBB2_1:
0x12: {  	[tilespmem:s4], [sflag:$0x9] =	stream.linear.gather [hbm4b:s6+s4], $0x2760, $0x38;
	[tilespmem:$0x8440] =	vst v63  }
0x13: {  	_ =	swait.ge [sflag:s10], $0x2760  }
0x14: {  	[sflag:s10] =	ssyncset.done $0x0  }
0x15: {  	[sflag:s10] =	ssyncadd.s32 $0xFFFFD8A0  }
0x16: {  	[tilespmem:s11], [sflag:$0x9] =	stream.linear.gather [hbm4b:s7+s4], $0x2760, $0x38;
	[tilespmem:$0x8440] =	vst v63  }
0x17: {  	_ =	swait.ge [sflag:s10], $0x2760  }
0x18: {  	[sflag:s10] =	ssyncset.done $0x0  }
0x19: {  	[sflag:s10] =	ssyncadd.s32 $0xFFFFD8A0  }
0x1a: {  	s23 =	rddreg [dreg:$0x1]  }
0x1b: {  	[spmem:s13], [sflag:s12] =	dma.local [hbm:s23], $0x4F0  }
0x1c: {  	_ =	swait.ge [sflag:s10], $0x4F0  }
0x1d: {  	[sflag:s10] =	ssyncset.done $0x0  }
0x1e: {  	[sflag:s10] =	ssyncadd.s32 $0xFFFFFB10  }
0x1f: {  	[bflag:$0x0] =	sbarrier.arrive $0xFFFF  }
0x20: {  	[tilespmem:s15], [sflag:$0x1] =	stream.indirect.gather [hbm4b:s5+s14], $0x10, s4, s14, $0xb8;
	[tilespmem:$0x8440] =	vst v63  }
0x21: {  	_ = 	snop  }
0x22: {  	[tilespmem:s16], [sflag:$0x2] =	stream.indirect.gather [hbm4b:s5+s14], $0x10, s14, s14, $0xb8;
	[tilespmem:$0x8440] =	vst v63  }
0x23: {  	s25 =	simm.s32 $0x70  }
0x24: {  	[tilespmem:s18], [sflag:$0x3] =	stream.indirect.gather [hbm4b:s5+s14], $0x10, s25, s14, $0xb8;
	[tilespmem:$0x8440] =	vst v63  }
0x25: {  	s28 =	simm.s32 $0xA8  }
0x26: {  	[tilespmem:s20], [sflag:$0x4] =	stream.indirect.gather [hbm4b:s5+s14], $0x10, s28, s14, $0xb8;
	[tilespmem:$0x8440] =	vst v63  }
0x27: {  	_ =	swait.ge [sflag:s21], $0x380  }
0x28: {  	[sflag:s21] =	ssyncset.done $0x0  }
0x29: {  	[sflag:s21] =	ssyncadd.s32 $0xFFFFFC80  }
0x2a: {  	[spmem:s3] =	stream.indirect.scatter.add.f32 [tilespmem:s15], [sflag:$0x5], $0x10, s11, s14, $0xb8;
	[tilespmem:$0x8440] =	vst v63  }
0x2b: {  	_ =	swait.ge [sflag:s22], $0x380  }
0x2c: {  	[sflag:s22] =	ssyncset.done $0x0  }
0x2d: {  	s25 =	simm.s32 $0xE0;
	[sflag:s22] =	ssyncadd.s32 $0xFFFFFC80  }
0x2e: {  	[tilespmem:s15], [sflag:$0x1] =	stream.indirect.gather [hbm4b:s5+s14], $0x10, s25, s14, $0xb8;
	[tilespmem:$0x8440] =	vst v63  }
0x2f: {  	_ =	swait.ge [sflag:s24], $0x380  }
0x30: {  	[sflag:s24] =	ssyncset.done $0x0  }
0x31: {  	s28 =	simm.s32 $0x2798;
	[sflag:s24] =	ssyncadd.s32 $0xFFFFFC80  }
0x32: {  	[spmem:s3] =	stream.indirect.scatter.add.f32 [tilespmem:s16], [sflag:$0x6], $0x10, s28, s14, $0xb8;
	[tilespmem:$0x8440] =	vst v63  }
0x33: {  	_ =	swait.ge [sflag:s26], $0x380  }
0x34: {  	[sflag:s26] =	ssyncset.done $0x0  }
0x35: {  	s25 =	simm.s32 $0x118;
	[sflag:s26] =	ssyncadd.s32 $0xFFFFFC80  }
0x36: {  	[tilespmem:s16], [sflag:$0x2] =	stream.indirect.gather [hbm4b:s5+s14], $0x10, s25, s14, $0xb8;
	[tilespmem:$0x8440] =	vst v63  }
0x37: {  	_ =	swait.ge [sflag:s29], $0x380  }
0x38: {  	[sflag:s29] =	ssyncset.done $0x0  }
0x39: {  	[sflag:s29] =	ssyncadd.s32 $0xFFFFFC80  }
0x3a: {  	[spmem:s3] =	stream.indirect.scatter.add.f32 [tilespmem:s18], [sflag:$0x7], $0x10, s30, s14, $0xb8;
	[tilespmem:$0x8440] =	vst v63  }
0x3b: {  	_ =	swait.ge [sflag:s31], $0x380  }
0x3c: {  	[sflag:s31] =	ssyncset.done $0x0  }
0x3d: {  	[sflag:s31] =	ssyncadd.s32 $0xFFFFFC80  }
0x3e: {  	[tilespmem:s18], [sflag:$0x3] =	stream.indirect.gather [hbm4b:s5+s14], $0x10, s0, s14, $0xb8;
	[tilespmem:$0x8440] =	vst v63  }
0x3f: {  	_ =	swait.ge [sflag:s1], $0x380  }
0x40: {  	[sflag:s1] =	ssyncset.done $0x0  }
0x41: {  	[sflag:s1] =	ssyncadd.s32 $0xFFFFFC80  }
0x42: {  	[spmem:s3] =	stream.indirect.scatter.add.f32 [tilespmem:s20], [sflag:$0x8], $0x10, s2, s14, $0xb8;
	[tilespmem:$0x8440] =	vst v63  }
0x43: {  	_ =	swait.ge [sflag:s17], $0x380  }
0x44: {  	[sflag:s17] =	ssyncset.done $0x0  }
0x45: {  	s28 =	simm.s32 $0x188;
	[sflag:s17] =	ssyncadd.s32 $0xFFFFFC80  }
0x46: {  	[tilespmem:s20], [sflag:$0x4] =	stream.indirect.gather [hbm4b:s5+s14], $0x10, s28, s14, $0xb8;
	[tilespmem:$0x8440] =	vst v63  }
0x47: {  	_ =	swait.ge [sflag:s21], $0x380  }
0x48: {  	[sflag:s21] =	ssyncset.done $0x0  }
0x49: {  	s25 =	simm.s32 $0x2840;
	[sflag:s21] =	ssyncadd.s32 $0xFFFFFC80  }
0x4a: {  	[spmem:s3] =	stream.indirect.scatter.add.f32 [tilespmem:s15], [sflag:$0x5], $0x10, s25, s14, $0xb8;
	[tilespmem:$0x8440] =	vst v63  }
0x4b: {  	_ =	swait.ge [sflag:s22], $0x380  }
0x4c: {  	[sflag:s22] =	ssyncset.done $0x0  }
0x4d: {  	s28 =	simm.s32 $0x1C0;
	[sflag:s22] =	ssyncadd.s32 $0xFFFFFC80  }
0x4e: {  	[tilespmem:s15], [sflag:$0x1] =	stream.indirect.gather [hbm4b:s5+s14], $0x10, s28, s14, $0xb8;
	[tilespmem:$0x8440] =	vst v63  }
0x4f: {  	_ =	swait.ge [sflag:s24], $0x380  }
0x50: {  	[sflag:s24] =	ssyncset.done $0x0  }
0x51: {  	s25 =	simm.s32 $0x2878;
	[sflag:s24] =	ssyncadd.s32 $0xFFFFFC80  }
0x52: {  	[spmem:s3] =	stream.indirect.scatter.add.f32 [tilespmem:s16], [sflag:$0x6], $0x10, s25, s14, $0xb8;
	[tilespmem:$0x8440] =	vst v63  }
0x53: {  	_ =	swait.ge [sflag:s26], $0x380  }
0x54: {  	[sflag:s26] =	ssyncset.done $0x0  }
0x55: {  	s28 =	simm.s32 $0x1F8;
	[sflag:s26] =	ssyncadd.s32 $0xFFFFFC80  }
0x56: {  	[tilespmem:s16], [sflag:$0x2] =	stream.indirect.gather [hbm4b:s5+s14], $0x10, s28, s14, $0xb8;
	[tilespmem:$0x8440] =	vst v63  }
0x57: {  	_ =	swait.ge [sflag:s29], $0x380  }
0x58: {  	[sflag:s29] =	ssyncset.done $0x0  }
0x59: {  	s25 =	simm.s32 $0x28B0;
	[sflag:s29] =	ssyncadd.s32 $0xFFFFFC80  }
0x5a: {  	[spmem:s3] =	stream.indirect.scatter.add.f32 [tilespmem:s18], [sflag:$0x7], $0x10, s25, s14, $0xb8;
	[tilespmem:$0x8440] =	vst v63  }
0x5b: {  	_ =	swait.ge [sflag:s31], $0x380  }
0x5c: {  	[sflag:s31] =	ssyncset.done $0x0  }
0x5d: {  	s28 =	simm.s32 $0x230;
	[sflag:s31] =	ssyncadd.s32 $0xFFFFFC80  }
0x5e: {  	[tilespmem:s18], [sflag:$0x3] =	stream.indirect.gather [hbm4b:s5+s14], $0x10, s28, s14, $0xb8;
	[tilespmem:$0x8440] =	vst v63  }
0x5f: {  	_ =	swait.ge [sflag:s1], $0x380  }
0x60: {  	[sflag:s1] =	ssyncset.done $0x0  }
0x61: {  	s23 =	simm.s32 $0x380;
	s25 =	simm.s32 $0x28E8;
	[sflag:s1] =	ssyncadd.s32 $0xFFFFFC80  }
.LBB2_2:
0x62: {  	[spmem:s3] =	stream.indirect.scatter.add.f32 [tilespmem:s20], [sflag:$0x8], $0x10, s25, s14, $0xb8;
	[tilespmem:$0x8440] =	vst v63  }
0x63: {  	s25 =	smov.u32 s23;
	s23 =	sadd.s32 $0x380, s23;
	_ =	swait.ge [sflag:s17], $0x380  }
0x64: {  	s25 =	sshra.s32 s25, $0x2;
	p0 =	sne.s32 s23, $0x9680;
	[sflag:s17] =	ssyncset.done $0x0  }
0x65: {  	s28 =	sadd.s32 $0x188, s25;
	[sflag:s17] =	ssyncadd.s32 $0xFFFFFC80  }
0x66: {  	[tilespmem:s20], [sflag:$0x4] =	stream.indirect.gather [hbm4b:s5+s14], $0x10, s28, s14, $0xb8;
	[tilespmem:$0x8440] =	vst v63  }
0x67: {  	_ =	swait.ge [sflag:s21], $0x380  }
0x68: {  	[sflag:s21] =	ssyncset.done $0x0  }
0x69: {  	s28 =	sadd.s32 $0x2840, s25;
	[sflag:s21] =	ssyncadd.s32 $0xFFFFFC80  }
0x6a: {  	[spmem:s3] =	stream.indirect.scatter.add.f32 [tilespmem:s15], [sflag:$0x5], $0x10, s28, s14, $0xb8;
	[tilespmem:$0x8440] =	vst v63  }
0x6b: {  	_ =	swait.ge [sflag:s22], $0x380  }
0x6c: {  	[sflag:s22] =	ssyncset.done $0x0  }
0x6d: {  	s28 =	sadd.s32 $0x1C0, s25;
	[sflag:s22] =	ssyncadd.s32 $0xFFFFFC80  }
0x6e: {  	[tilespmem:s15], [sflag:$0x1] =	stream.indirect.gather [hbm4b:s5+s14], $0x10, s28, s14, $0xb8;
	[tilespmem:$0x8440] =	vst v63  }
0x6f: {  	_ =	swait.ge [sflag:s24], $0x380  }
0x70: {  	[sflag:s24] =	ssyncset.done $0x0  }
0x71: {  	s28 =	sadd.s32 $0x2878, s25;
	[sflag:s24] =	ssyncadd.s32 $0xFFFFFC80  }
0x72: {  	[spmem:s3] =	stream.indirect.scatter.add.f32 [tilespmem:s16], [sflag:$0x6], $0x10, s28, s14, $0xb8;
	[tilespmem:$0x8440] =	vst v63  }
0x73: {  	_ =	swait.ge [sflag:s26], $0x380  }
0x74: {  	[sflag:s26] =	ssyncset.done $0x0  }
0x75: {  	s28 =	sadd.s32 $0x1F8, s25;
	[sflag:s26] =	ssyncadd.s32 $0xFFFFFC80  }
0x76: {  	[tilespmem:s16], [sflag:$0x2] =	stream.indirect.gather [hbm4b:s5+s14], $0x10, s28, s14, $0xb8;
	[tilespmem:$0x8440] =	vst v63  }
0x77: {  	_ =	swait.ge [sflag:s29], $0x380  }
0x78: {  	[sflag:s29] =	ssyncset.done $0x0  }
0x79: {  	s28 =	sadd.s32 $0x28B0, s25;
	[sflag:s29] =	ssyncadd.s32 $0xFFFFFC80  }
0x7a: {  	[spmem:s3] =	stream.indirect.scatter.add.f32 [tilespmem:s18], [sflag:$0x7], $0x10, s28, s14, $0xb8;
	[tilespmem:$0x8440] =	vst v63  }
0x7b: {  	_ =	swait.ge [sflag:s31], $0x380  }
0x7c: {  	[sflag:s31] =	ssyncset.done $0x0  }
.Ltmp0:
0x7d: {  	s28 =	sadd.s32 $0x230, s25;
	[sflag:s31] =	ssyncadd.s32 $0xFFFFFC80;
	(pc) =	sbr.rel @p0 .LBB2_2-.Ltmp0, $4  }
0x7e: {  	[tilespmem:s18], [sflag:$0x3] =	stream.indirect.gather [hbm4b:s5+s14], $0x10, s28, s14, $0xb8;
	[tilespmem:$0x8440] =	vst v63  }
0x7f: {  	_ =	swait.ge [sflag:s1], $0x380  }
0x80: {  	[sflag:s1] =	ssyncset.done $0x0  }
0x81: {  	s25 =	sadd.s32 $0x28E8, s25;
	[sflag:s1] =	ssyncadd.s32 $0xFFFFFC80  }
0x82: {  	[spmem:s3] =	stream.indirect.scatter.add.f32 [tilespmem:s20], [sflag:$0x8], $0x10, s25, s14, $0xb8;
	[tilespmem:$0x8440] =	vst v63  }
0x83: {  	_ =	swait.ge [sflag:s17], $0x380  }
0x84: {  	s23 =	sshra.s32 s23, $0x2;
	[sflag:s17] =	ssyncset.done $0x0  }
0x85: {  	s28 =	sadd.s32 $0x188, s23;
	[sflag:s17] =	ssyncadd.s32 $0xFFFFFC80  }
0x86: {  	[tilespmem:s20], [sflag:$0x4] =	stream.indirect.gather [hbm4b:s5+s14], $0x10, s28, s14, $0xb8;
	[tilespmem:$0x8440] =	vst v63  }
0x87: {  	_ =	swait.ge [sflag:s21], $0x380  }
0x88: {  	[sflag:s21] =	ssyncset.done $0x0  }
0x89: {  	s28 =	sadd.s32 $0x2840, s23;
	[sflag:s21] =	ssyncadd.s32 $0xFFFFFC80  }
0x8a: {  	[spmem:s3] =	stream.indirect.scatter.add.f32 [tilespmem:s15], [sflag:$0x5], $0x10, s28, s14, $0xb8;
	[tilespmem:$0x8440] =	vst v63  }
0x8b: {  	_ =	swait.ge [sflag:s24], $0x380  }
0x8c: {  	[sflag:s24] =	ssyncset.done $0x0  }
0x8d: {  	s28 =	sadd.s32 $0x2878, s23;
	[sflag:s24] =	ssyncadd.s32 $0xFFFFFC80  }
0x8e: {  	[spmem:s3] =	stream.indirect.scatter.add.f32 [tilespmem:s16], [sflag:$0x6], $0x10, s28, s14, $0xb8;
	[tilespmem:$0x8440] =	vst v63  }
0x8f: {  	_ =	swait.ge [sflag:s29], $0x380  }
0x90: {  	[sflag:s29] =	ssyncset.done $0x0  }
0x91: {  	s28 =	sadd.s32 $0x28B0, s23;
	[sflag:s29] =	ssyncadd.s32 $0xFFFFFC80  }
0x92: {  	[spmem:s3] =	stream.indirect.scatter.add.f32 [tilespmem:s18], [sflag:$0x7], $0x10, s28, s14, $0xb8;
	[tilespmem:$0x8440] =	vst v63  }
0x93: {  	_ =	swait.ge [sflag:s1], $0x380  }
0x94: {  	[sflag:s1] =	ssyncset.done $0x0  }
0x95: {  	s23 =	sadd.s32 $0x28E8, s23;
	[sflag:s1] =	ssyncadd.s32 $0xFFFFFC80  }
0x96: {  	[spmem:s3] =	stream.indirect.scatter.add.f32 [tilespmem:s20], [sflag:$0x8], $0x10, s23, s14, $0xb8;
	[tilespmem:$0x8440] =	vst v63  }
0x97: {  	_ =	swait.ge [sflag:s22], $0x380  }
0x98: {  	[sflag:s22] =	ssyncset.done $0x0  }
0x99: {  	[sflag:s22] =	ssyncadd.s32 $0xFFFFFC80  }
0x9a: {  	_ =	swait.ge [sflag:s26], $0x380  }
0x9b: {  	[sflag:s26] =	ssyncset.done $0x0  }
0x9c: {  	[sflag:s26] =	ssyncadd.s32 $0xFFFFFC80  }
0x9d: {  	_ =	swait.ge [sflag:s31], $0x380  }
0x9e: {  	[sflag:s31] =	ssyncset.done $0x0  }
0x9f: {  	[sflag:s31] =	ssyncadd.s32 $0xFFFFFC80  }
0xa0: {  	_ =	swait.ge [sflag:s17], $0x380  }
0xa1: {  	s19 =	sadd.s32 $0x1, s19;
	[sflag:s17] =	ssyncset.done $0x0  }
0xa2: {  	p0 =	sne.s32 s19, s9;
	[sflag:s17] =	ssyncadd.s32 $0xFFFFFC80  }
.Ltmp1:
0xa3: {  	[bflag:$0x0] =	sbarrier.arrive $0xFFFF;
	(pc) =	sbr.rel @p0 .LBB2_1-.Ltmp1, $4  }
0xa4: {  	[hbm:s8], [sflag:s12] =	dma.local [spmem:s13], $0x4F0  }
0xa5: {  	_ =	swait.ge [sflag:s10], $0x4F0  }
0xa6: {  	[sflag:s10] =	ssyncset.done $0x0  }
0xa7: {  	[sflag:s10] =	ssyncadd.s32 $0xFFFFFB10  }
0xa8: {  	_ =	sfence.sel $0x180000  }
0xa9: {  	[bflag:$0x0] =	sbarrier.arrive $0xFFFF  }
0xaa: {  	_ =	strace $0x9000004D  }
0xab: {  	s0 =	stileid.u32;
	[bflag:$0x2] =	sbarrier.arrive $0xFFFF  }
0xac: {  	p0 =	sne.s32 s0, $0x0;
	s0 =	rddreg [dreg:$0x3]  }
0xad: {  	s0 =	sadd.s32 @!p0 $0x100000, s0  }
0xae: {  	[sflag:s0] =	ssyncadd.tile.s32 @!p0 $0x1;
	_ =	shalt  }
.Lfunc_end2:
_tile_overlayer_lowered:
.L_overlay_start_2:
0xaf: {  	(tag) =	ssettag $0x2  }
0xb0: {  	s0 =	rddreg [dreg:$0x0];
	s2 =	stileid.u32  }
0xb1: {  	s1 =	rddreg [dreg:$0x1];
	p0 =	sne.s32 s2, $0x0  }
0xb2: {  	s3 =	rddreg [dreg:$0x2];
	[bflag:$0x3] =	sbarrier.arrive $0xFFFF;
	s2 =	simm.s32 @!p0 $0x1C09  }
0xb3: {  	[timem:s3], [sflag:s2] =	dma.local @!p0 [hbm:s0], s1  }
0xb4: {  	s0 =	simm.s32 @!p0 $0x9  }
0xb5: {  	_ =	swait.ge @!p0 [sflag:s0], s1  }
0xb6: {  	s1 =	ssub.s32 @!p0 $0x0, s1;
	[sflag:s0] =	ssyncset.done @!p0 $0x0  }
0xb7: {  	[sflag:s0] =	ssyncadd.s32 @!p0 s1  }
0xb8: {  	[bflag:$0x3] =	sbarrier.arrive $0xFFFF  }
0xb9: {  	_ =	shalt  }

// kernel: kernel.7.cloned.1.call-start
scs
__scs_entry_jumppad:
0x0: {  	(pc) =	sbr.rel $0x88, $3  }
0x1: {  	(tag) =	ssettag $0x0;
	lr =	simm.s32 $0x1  }
0x2: {  	[smem:$0x3F95] =	sst lr;
	_ =	strace $0xD0000000  }
0x3: {  	_ = 	snop  }
0x4: {  	_ = 	snop  }
0x5: {  	_ = 	snop  }
0x6: {  	_ = 	snop  }
0x7: {  	_ = 	snop  }
__scs_overlays_trampoline_lowered:
0x8: {  	[smem:$0x3FA4] =	sst s0  }
0x9: {  	[smem:$0x3FA5] =	sst s1  }
0xa: {  	[smem:$0x3FA6] =	sst s2  }
0xb: {  	[smem:$0x3FA7] =	sst s3  }
0xc: {  	[smem:$0x3FA8] =	sst s4  }
0xd: {  	[smem:$0x3FA9] =	sst s5  }
0xe: {  	[smem:$0x3FAA] =	sst s6  }
0xf: {  	[smem:$0x3FAB] =	sst s7  }
0x10: {  	[smem:$0x3FAC] =	sst s8  }
0x11: {  	[smem:$0x3FAD] =	sst s9;
	s0 =	simm.s32 @!p0 $0x0  }
0x12: {  	s1 =	sld [smem:$0x3F93];
	s0 =	simm.s32 @p0 $0x1  }
0x13: {  	[smem:$0x3FAE] =	sst s0;
	s0 =	simm.s32 @!p1 $0x0  }
0x14: {  	s2 =	sld [smem:$0x3F92];
	s0 =	simm.s32 @p1 $0x1  }
0x15: {  	[smem:$0x3FAF] =	sst s0;
	s0 =	simm.s32 @!p2 $0x0  }
0x16: {  	s3 =	sld [smem:$0x3FDB];
	s0 =	simm.s32 @p2 $0x1  }
0x17: {  	s4 =	simm.s32 $0x1BF5;
	[smem:$0x3FB1] =	sst s0  }
0x18: {  	s0 =	sld [smem:$0x3F94];
	_ =	swait.ge [sflag:s4], $0x0  }
0x19: {  	s7 =	sld [smem:$0x3F95]  }
0x1a: {  	s8 =	sadd.s32 $0xFFFFE003, lr  }
0x1b: {  	s9 =	sadd.s32 $0xFFFFFEF7, lr;
	s5 =	simm.s32 $0xFFFFFFFF;
	p2 =	slt.u32 s8, $0xFFFFF086  }
0x1c: {  	p1 =	slt.u32 s9, $0xF7A;
	s5 =	simm.s32 @!p2 $0x0  }
0x1d: {  	s5 =	simm.s32 @p1 $0x1;
	p0 =	seq.s32 s7, s2  }
0x1e: {  	s7 =	smul.u32 @!p0 $0xF7A, s2;
	p2 =	seq.s32 @!p0 s5, $0x0  }
0x1f: {  	s9 =	smul.u32 $0xF7A, s1;
	s8 =	simm.s32 @!p0 $0x1BF5;
	p2 =	por !p2, p0  }
0x20: {  	[sflag:s8] =	ssyncset.s32 @!p0 $0xFFFFF086;
	s6 =	sadd.s32 @!p0 s3, s7;
	s7 =	simm.s32 @!p0 $0x108  }
0x21: {  	s3 =	sadd.s32 s3, s9;
	s6 =	sadd.s32 @!p0 $0x88, s6;
	s7 =	simm.s32 @p2 $0x1082  }
0x22: {  	[simem:s7], [sflag:s8] =	dma.local @!p0 [hbm:s6], $0xF7A  }
0x23: {  	s9 =	sor.u32 $0xD0000000, s2;
	s6 =	simm.s32 $0x108;
	_ =	swait.ge @!p0 [sflag:s8], $0x0  }
0x24: {  	s3 =	sadd.s32 $0x88, s3;
	s6 =	simm.s32 @!p1 $0x1082;
	[sflag:s4] =	ssyncset.s32 $0xFFFFF086  }
0x25: {  	[simem:s6], [sflag:s4] =	dma.local [hbm:s3], $0xF7A  }
0x26: {  	[smem:$0x3F95] =	sst s1;
	(tag) =	ssettag s2;
	_ =	strace s9  }
0x27: {  	s1 =	sld [smem:$0x3FA5]  }
0x28: {  	s2 =	sld [smem:$0x3FA6]  }
0x29: {  	s4 =	sld [smem:$0x3FA8]  }
0x2a: {  	p0 =	seq.s32 s5, $0x0;
	s5 =	sld [smem:$0x3FA9]  }
0x2b: {  	s6 =	sld [smem:$0x3FAA]  }
0x2c: {  	s7 =	sld [smem:$0x3FAB]  }
0x2d: {  	s3 =	simm.s32 $0x108;
	s8 =	sld [smem:$0x3FAC]  }
0x2e: {  	s3 =	simm.s32 @!p0 $0x1082;
	s9 =	sld [smem:$0x3FAD]  }
0x2f: {  	lr =	sadd.s32 s0, s3;
	s0 =	sld [smem:$0x3FA4]  }
0x30: {  	s3 =	sld [smem:$0x3FA7]  }
0x31: {  	[smem:$0x3FB0] =	sst s10  }
0x32: {  	s10 =	sld [smem:$0x3FAE];
	_ =	sdelay $0x3  }
0x33: {  	p0 =	seq.s32 s10, $0x1;
	s10 =	sld [smem:$0x3FB0];
	_ =	sdelay $0x3  }
0x34: {  	[smem:$0x3FB0] =	sst s10  }
0x35: {  	s10 =	sld [smem:$0x3FAF];
	_ =	sdelay $0x3  }
0x36: {  	p1 =	seq.s32 s10, $0x1;
	s10 =	sld [smem:$0x3FB0];
	_ =	sdelay $0x3  }
0x37: {  	[smem:$0x3FB0] =	sst s10  }
0x38: {  	s10 =	sld [smem:$0x3FB1]  }
0x39: {  	_ = 	snop;
	(pc) =	sbr.ind lr, $3  }
0x3a: {  	_ = 	snop  }
0x3b: {  	_ = 	snop  }
0x3c: {  	p2 =	seq.s32 s10, $0x1;
	s10 =	sld [smem:$0x3FB0]  }
0x3d: {  	_ =	shalt  }
0x3e: {  	_ =	shalt  }
0x3f: {  	_ =	shalt  }
0x40: {  	_ =	shalt  }
0x41: {  	_ =	shalt  }
0x42: {  	_ =	shalt  }
0x43: {  	_ =	shalt  }
0x44: {  	_ =	shalt  }
0x45: {  	_ =	shalt  }
0x46: {  	_ =	shalt  }
0x47: {  	_ =	shalt  }
0x48: {  	_ =	shalt  }
0x49: {  	_ =	shalt  }
0x4a: {  	_ =	shalt  }
0x4b: {  	_ =	shalt  }
0x4c: {  	_ =	shalt  }
0x4d: {  	_ =	shalt  }
0x4e: {  	_ =	shalt  }
0x4f: {  	_ =	shalt  }
0x50: {  	_ =	shalt  }
0x51: {  	_ =	shalt  }
0x52: {  	_ =	shalt  }
0x53: {  	_ =	shalt  }
0x54: {  	_ =	shalt  }
0x55: {  	_ =	shalt  }
0x56: {  	_ =	shalt  }
0x57: {  	_ =	shalt  }
0x58: {  	_ =	shalt  }
0x59: {  	_ =	shalt  }
0x5a: {  	_ =	shalt  }
0x5b: {  	_ =	shalt  }
0x5c: {  	_ =	shalt  }
0x5d: {  	_ =	shalt  }
0x5e: {  	_ =	shalt  }
0x5f: {  	_ =	shalt  }
0x60: {  	_ =	shalt  }
0x61: {  	_ =	shalt  }
0x62: {  	_ =	shalt  }
0x63: {  	_ =	shalt  }
0x64: {  	_ =	shalt  }
0x65: {  	_ =	shalt  }
0x66: {  	_ =	shalt  }
0x67: {  	_ =	shalt  }
0x68: {  	_ =	shalt  }
0x69: {  	_ =	shalt  }
0x6a: {  	_ =	shalt  }
0x6b: {  	_ =	shalt  }
0x6c: {  	_ =	shalt  }
0x6d: {  	_ =	shalt  }
0x6e: {  	_ =	shalt  }
0x6f: {  	_ =	shalt  }
0x70: {  	_ =	shalt  }
0x71: {  	_ =	shalt  }
0x72: {  	_ =	shalt  }
0x73: {  	_ =	shalt  }
0x74: {  	_ =	shalt  }
0x75: {  	_ =	shalt  }
0x76: {  	_ =	shalt  }
0x77: {  	_ =	shalt  }
0x78: {  	_ =	shalt  }
0x79: {  	_ =	shalt  }
0x7a: {  	_ =	shalt  }
0x7b: {  	_ =	shalt  }
0x7c: {  	_ =	shalt  }
0x7d: {  	_ =	shalt  }
0x7e: {  	_ =	shalt  }
0x7f: {  	_ =	shalt  }
0x80: {  	_ =	shalt  }
0x81: {  	_ =	shalt  }
0x82: {  	_ =	shalt  }
0x83: {  	_ =	shalt  }
0x84: {  	_ =	shalt  }
0x85: {  	_ =	shalt  }
0x86: {  	_ =	shalt  }
0x87: {  	_ =	shalt  }
.Lfunc_end0:
.L_simem_size_0:
called_computation_lowered:
.L_overlay_start_0:
0x88: {  	s2 =	sld [smem:$0x3FD9]  }
0x89: {  	s3 =	sld [smem:$0x3FFE];
	_ =	sdelay $0x1  }
0x8a: {  	s1 =	srdreg.scid  }
0x8b: {  	s0 =	sand.u32 $0x1, s1  }
0x8c: {  	s17 =	sshll.u32 s0, $0xA;
	s2 =	sadd.s32 s3, s2  }
0x8d: {  	s2 =	sadd.s32 s2, s17  }
0x8e: {  	[smem:$0x3FBC] =	sst s2  }
0x8f: {  	_ = 	snop  }
0x90: {  	s2 =	sld [smem:$0x3FC9];
	(tm) =	ssettm $0x1  }
0x91: {  	s18 =	sld [smem:$0x3FFB];
	_ =	sdelay $0x3  }
0x92: {  	_ =	strace s18  }
0x93: {  	s3 =	sld [smem:$0x3FFC];
	_ =	sdelay $0x3  }
0x94: {  	_ =	strace s3  }
0x95: {  	s3 =	sld [smem:$0x3FFD];
	_ =	sdelay $0x3  }
0x96: {  	_ =	strace s3  }
0x97: {  	_ =	strace $0x8FFFFFFF  }
0x98: {  	s19 =	sld [smem:$0x3FDB];
	_ =	sdelay $0x1  }
0x99: {  	s4 =	simm.s32 $_scs_section_size  }
0x9a: {  	s5 =	simm.s32 $_size__tile_overlayer_lowered;
	s6 =	simm.s32 $_tile_overlayer_lowered  }
0x9b: {  	s22 =	simm.s32 $0x1BFF;
	s21 =	sshll.u32 s6, $0x1;
	s3 =	sadd.s32 s4, s19  }
0x9c: {  	s7 =	simm.s32 $0x0;
	s20 =	sshll.u32 s5, $0x1;
	s5 =	sadd.s32 s21, s3  }
0x9d: {  	[timem:s7], [sflag:s22] =	dma.local [hbm:s5], s20  }
0x9e: {  	_ =	swait.ge [sflag:s22], s20  }
0x9f: {  	s4 =	ssub.s32 $0x0, s20;
	[sflag:s22] =	ssyncset.done $0x0  }
0xa0: {  	[sflag:s22] =	ssyncadd.s32 s4;
	_ =	sdelay $0x1  }
0xa1: {  	s23 =	simm.s32 $0x1B8B  }
0xa2: {  	_ =	swait.ge [sflag:s23], $0x1  }
0xa3: {  	[sflag:s23] =	ssyncset.done $0x0  }
0xa4: {  	s25 =	simm.s32 $0x1B8E;
	s24 =	sld [smem:$0x3FFE];
	[sflag:s23] =	ssyncadd.s32 $0xFFFFFFFF  }
0xa5: {  	s26 =	simm.s32 $execute0_lowered;
	[smem:$0x3FD2] =	sst s25  }
0xa6: {  	s5 =	sshll.u32 s26, $0x1;
	_ =	strace $0x80000046;
	[dreg:$0x1] =	wrdreg $0xFFFFFFFF  }
0xa7: {  	s28 =	simm.s32 $_size_execute0_lowered;
	s3 =	sadd.s32 s3, s5;
	[dreg:$0x0] =	wrdreg $0x0  }
0xa8: {  	s5 =	sshll.u32 s28, $0x1;
	[dreg:$0x2] =	wrdreg s3  }
0xa9: {  	[dreg:$0x3] =	wrdreg s5  }
0xaa: {  	[dreg:$0x4] =	wrdreg $0xC0  }
0xab: {  	_ =	task [dreg:s7], $0x5FFFF  }
0xac: {  	[dreg:$0x1] =	wrdreg $0xFFFFFFFF  }
0xad: {  	[dreg:$0x0] =	wrdreg $0x60  }
0xae: {  	[dreg:$0x2] =	wrdreg s2  }
0xaf: {  	[dreg:$0x3] =	wrdreg s24  }
0xb0: {  	[dreg:$0x4] =	wrdreg $0xBEC00  }
0xb1: {  	[dreg:$0x5] =	wrdreg $0x9  }
0xb2: {  	_ =	task.clear_ibuf [dreg:s7], $0x6FFFF;
	_ =	strace $0x90000046  }
0xb3: {  	s29 =	simm.s32 $0x9;
	_ =	strace $0x80000048  }
0xb4: {  	_ =	swait.ge [sflag:s29], $0x1  }
0xb5: {  	[sflag:s29] =	ssyncadd.s32 $0xFFFFFFFF  }
0xb6: {  	_ =	strace $0x90000048  }
0xb7: {  	_ =	sfence  }
0xb8: {  	s30 =	sld [smem:$0x0];
	_ =	sdelay $0x2  }
0xb9: {  	s31 =	sshll.u32 s1, $0xD;
	s1 =	sshrl.u32 s1, $0x2  }
0xba: {  	s3 =	sand.u32 $0x4000, s31;
	s1 =	sadd.s32 s1, s30  }
0xbb: {  	s0 =	sor.u32 s3, s0;
	s1 =	sshll.u32 s1, $0x11  }
0xbc: {  	s0 =	sor.u32 s1, s0  }
0xbd: {  	s0 =	sadd.s32 $0x8F2B, s0  }
0xbe: {  	[sflag:s0] =	ssyncadd.remote.s32 $0x1  }
0xbf: {  	_ =	sfence.sel $0xFFFF  }
0xc0: {  	[dreg:$0x0] =	wrdreg $0xFFFFFFFF;
	(pc) =	sbr.abs _section_cstart, $3  }
0xc1: {  	[dreg:$0x1] =	wrdreg $0xFFFFFFFF  }
0xc2: {  	_ =	task.clear_ibuf [dreg:s7], $0x2FFFF;
	_ =	strace $0x9FFFFFFF  }
0xc3: {  	(tm) =	ssettm $0x7FFFFFFF  }
tec
execute0_lowered:
.L_overlay_start_1:
0x0: {  	(tag) =	ssettag $0x1  }
0x1: {  	s2 =	rddreg [dreg:$0x0]  }
0x2: {  	s0 =	rddreg [dreg:$0x1];
	s1 =	srdreg.scid  }
0x3: {  	s3 =	rddreg [dreg:$0x2];
	s12 =	stileid.u32;
	s4 =	simm.s32 $0x0  }
0x4: {  	s10 =	simm.s32 $0x9;
	s11 =	simm.s32 $0x2760;
	s14 =	simm.s32 $0x38  }
0x5: {  	s15 =	simm.s32 $0x4EC0;
	s16 =	simm.s32 $0x6AC0;
	s18 =	simm.s32 $0x86C0  }
0x6: {  	s20 =	simm.s32 $0xA2C0;
	s21 =	simm.s32 $0x1;
	s22 =	simm.s32 $0x5  }
0x7: {  	s24 =	simm.s32 $0x2;
	s26 =	simm.s32 $0x6;
	s29 =	simm.s32 $0x3  }
0x8: {  	s31 =	simm.s32 $0x7;
	s17 =	simm.s32 $0x2808;
	s19 =	simm.s32 $0x8  }
0x9: {  	s23 =	simm.s32 $0x0;
	s1 =	sand.u32 $0x1, s1;
	s8 =	smul.u32 $0x13C00, s12  }
0xa: {  	[smem:$0x7FF] =	sst s4;
	s30 =	sshll.u32 s12, $0x6;
	s5 =	sshll.u32 s1, $0x4  }
0xb: {  	s6 =	smul.u32 $0x13C000, s1;
	_ =	strace $0x80000047;
	s1 =	ssub.s32 $0x2, s1  }
0xc: {  	s5 =	sor.u32 s12, s5;
	s28 =	sshrl.u32 s1, $0x1;
	s13 =	sadd.s32 s8, s3  }
0xd: {  	s12 =	sor.u32 $0x1C09, s30;
	s5 =	smul.u32 $0x4EC, s5;
	s6 =	sadd.s32 s8, s6  }
0xe: {  	s1 =	ssub.s32 s1, s28;
	s13 =	sshrl.u32 s13, $0x3;
	s6 =	sshrl.u32 s6, $0x3  }
0xf: {  	s9 =	smax.u32 s1, $0x1;
	s1 =	simm.s32 $0x4;
	s7 =	sadd.s32 s5, s0  }
0x10: {  	s5 =	sadd.s32 $0x16000, s0;
	s0 =	sadd.s32 s6, s0;
	s6 =	sadd.s32 $0x2400, s7  }
0x11: {  	s7 =	sadd.s32 $0xC200, s7;
	s8 =	sadd.s32 $0x18800, s0;
	s0 =	simm.s32 $0x150  }
.LBB2_1:
0x12: {  	[tilespmem:s4], [sflag:$0x9] =	stream.linear.gather [hbm4b:s6+s4], $0x2760, $0x38;
	[tilespmem:$0x1FAC0] =	vst v63  }
0x13: {  	_ =	swait.ge [sflag:s10], $0x2760  }
0x14: {  	[sflag:s10] =	ssyncset.done $0x0  }
0x15: {  	[sflag:s10] =	ssyncadd.s32 $0xFFFFD8A0  }
0x16: {  	[tilespmem:s11], [sflag:$0x9] =	stream.linear.gather [hbm4b:s7+s4], $0x2760, $0x38;
	[tilespmem:$0x1FAC0] =	vst v63  }
0x17: {  	_ =	swait.ge [sflag:s10], $0x2760  }
0x18: {  	[sflag:s10] =	ssyncset.done $0x0  }
0x19: {  	[sflag:s10] =	ssyncadd.s32 $0xFFFFD8A0  }
0x1a: {  	[spmem:s13], [sflag:s12] =	dma.local [hbm:s5], $0x2780  }
0x1b: {  	_ =	swait.ge [sflag:s10], $0x2780  }
0x1c: {  	[sflag:s10] =	ssyncset.done $0x0  }
0x1d: {  	[sflag:s10] =	ssyncadd.s32 $0xFFFFD880  }
0x1e: {  	[bflag:$0x0] =	sbarrier.arrive $0xFFFF  }
0x1f: {  	[tilespmem:s15], [sflag:$0x1] =	stream.indirect.gather [hbm4b:s2+s14], $0x80, s4, s14, $0xb8;
	[tilespmem:$0x1FAC0] =	vst v63  }
0x20: {  	_ = 	snop  }
0x21: {  	[tilespmem:s16], [sflag:$0x2] =	stream.indirect.gather [hbm4b:s2+s14], $0x80, s14, s14, $0xb8;
	[tilespmem:$0x1FAC0] =	vst v63  }
0x22: {  	s25 =	simm.s32 $0x70  }
0x23: {  	[tilespmem:s18], [sflag:$0x3] =	stream.indirect.gather [hbm4b:s2+s14], $0x80, s25, s14, $0xb8;
	[tilespmem:$0x1FAC0] =	vst v63  }
0x24: {  	s30 =	simm.s32 $0xA8  }
0x25: {  	[tilespmem:s20], [sflag:$0x4] =	stream.indirect.gather [hbm4b:s2+s14], $0x80, s30, s14, $0xb8;
	[tilespmem:$0x1FAC0] =	vst v63  }
0x26: {  	_ =	swait.ge [sflag:s21], $0x1C00  }
0x27: {  	[sflag:s21] =	ssyncset.done $0x0  }
0x28: {  	[sflag:s21] =	ssyncadd.s32 $0xFFFFE400  }
0x29: {  	[spmem:s3] =	stream.indirect.scatter.add.f32 [tilespmem:s15], [sflag:$0x5], $0x80, s11, s14, $0xb8;
	[tilespmem:$0x1FAC0] =	vst v63  }
0x2a: {  	_ =	swait.ge [sflag:s22], $0x1C00  }
0x2b: {  	[sflag:s22] =	ssyncset.done $0x0  }
0x2c: {  	s30 =	simm.s32 $0xE0;
	[sflag:s22] =	ssyncadd.s32 $0xFFFFE400  }
0x2d: {  	[tilespmem:s15], [sflag:$0x1] =	stream.indirect.gather [hbm4b:s2+s14], $0x80, s30, s14, $0xb8;
	[tilespmem:$0x1FAC0] =	vst v63  }
0x2e: {  	_ =	swait.ge [sflag:s24], $0x1C00  }
0x2f: {  	[sflag:s24] =	ssyncset.done $0x0  }
0x30: {  	s30 =	simm.s32 $0x2798;
	[sflag:s24] =	ssyncadd.s32 $0xFFFFE400  }
0x31: {  	[spmem:s3] =	stream.indirect.scatter.add.f32 [tilespmem:s16], [sflag:$0x6], $0x80, s30, s14, $0xb8;
	[tilespmem:$0x1FAC0] =	vst v63  }
0x32: {  	_ =	swait.ge [sflag:s26], $0x1C00  }
0x33: {  	[sflag:s26] =	ssyncset.done $0x0  }
0x34: {  	s30 =	simm.s32 $0x118;
	[sflag:s26] =	ssyncadd.s32 $0xFFFFE400  }
0x35: {  	[tilespmem:s16], [sflag:$0x2] =	stream.indirect.gather [hbm4b:s2+s14], $0x80, s30, s14, $0xb8;
	[tilespmem:$0x1FAC0] =	vst v63  }
0x36: {  	_ =	swait.ge [sflag:s29], $0x1C00  }
0x37: {  	[sflag:s29] =	ssyncset.done $0x0  }
0x38: {  	s30 =	simm.s32 $0x27D0;
	[sflag:s29] =	ssyncadd.s32 $0xFFFFE400  }
0x39: {  	[spmem:s3] =	stream.indirect.scatter.add.f32 [tilespmem:s18], [sflag:$0x7], $0x80, s30, s14, $0xb8;
	[tilespmem:$0x1FAC0] =	vst v63  }
0x3a: {  	_ =	swait.ge [sflag:s31], $0x1C00  }
0x3b: {  	[sflag:s31] =	ssyncset.done $0x0  }
0x3c: {  	[sflag:s31] =	ssyncadd.s32 $0xFFFFE400  }
0x3d: {  	[tilespmem:s18], [sflag:$0x3] =	stream.indirect.gather [hbm4b:s2+s14], $0x80, s0, s14, $0xb8;
	[tilespmem:$0x1FAC0] =	vst v63  }
0x3e: {  	_ =	swait.ge [sflag:s1], $0x1C00  }
0x3f: {  	[sflag:s1] =	ssyncset.done $0x0  }
0x40: {  	[sflag:s1] =	ssyncadd.s32 $0xFFFFE400  }
0x41: {  	[spmem:s3] =	stream.indirect.scatter.add.f32 [tilespmem:s20], [sflag:$0x8], $0x80, s17, s14, $0xb8;
	[tilespmem:$0x1FAC0] =	vst v63  }
0x42: {  	_ =	swait.ge [sflag:s19], $0x1C00  }
0x43: {  	[sflag:s19] =	ssyncset.done $0x0  }
0x44: {  	s30 =	simm.s32 $0x188;
	[sflag:s19] =	ssyncadd.s32 $0xFFFFE400  }
0x45: {  	[tilespmem:s20], [sflag:$0x4] =	stream.indirect.gather [hbm4b:s2+s14], $0x80, s30, s14, $0xb8;
	[tilespmem:$0x1FAC0] =	vst v63  }
0x46: {  	_ =	swait.ge [sflag:s21], $0x1C00  }
0x47: {  	[sflag:s21] =	ssyncset.done $0x0  }
0x48: {  	s30 =	simm.s32 $0x2840;
	[sflag:s21] =	ssyncadd.s32 $0xFFFFE400  }
0x49: {  	[spmem:s3] =	stream.indirect.scatter.add.f32 [tilespmem:s15], [sflag:$0x5], $0x80, s30, s14, $0xb8;
	[tilespmem:$0x1FAC0] =	vst v63  }
0x4a: {  	_ =	swait.ge [sflag:s22], $0x1C00  }
0x4b: {  	[sflag:s22] =	ssyncset.done $0x0  }
0x4c: {  	s30 =	simm.s32 $0x1C0;
	[sflag:s22] =	ssyncadd.s32 $0xFFFFE400  }
0x4d: {  	[tilespmem:s15], [sflag:$0x1] =	stream.indirect.gather [hbm4b:s2+s14], $0x80, s30, s14, $0xb8;
	[tilespmem:$0x1FAC0] =	vst v63  }
0x4e: {  	_ =	swait.ge [sflag:s24], $0x1C00  }
0x4f: {  	[sflag:s24] =	ssyncset.done $0x0  }
0x50: {  	s30 =	simm.s32 $0x2878;
	[sflag:s24] =	ssyncadd.s32 $0xFFFFE400  }
0x51: {  	[spmem:s3] =	stream.indirect.scatter.add.f32 [tilespmem:s16], [sflag:$0x6], $0x80, s30, s14, $0xb8;
	[tilespmem:$0x1FAC0] =	vst v63  }
0x52: {  	_ =	swait.ge [sflag:s26], $0x1C00  }
0x53: {  	[sflag:s26] =	ssyncset.done $0x0  }
0x54: {  	s30 =	simm.s32 $0x1F8;
	[sflag:s26] =	ssyncadd.s32 $0xFFFFE400  }
0x55: {  	[tilespmem:s16], [sflag:$0x2] =	stream.indirect.gather [hbm4b:s2+s14], $0x80, s30, s14, $0xb8;
	[tilespmem:$0x1FAC0] =	vst v63  }
0x56: {  	_ =	swait.ge [sflag:s29], $0x1C00  }
0x57: {  	[sflag:s29] =	ssyncset.done $0x0  }
0x58: {  	s30 =	simm.s32 $0x28B0;
	[sflag:s29] =	ssyncadd.s32 $0xFFFFE400  }
0x59: {  	[spmem:s3] =	stream.indirect.scatter.add.f32 [tilespmem:s18], [sflag:$0x7], $0x80, s30, s14, $0xb8;
	[tilespmem:$0x1FAC0] =	vst v63  }
0x5a: {  	_ =	swait.ge [sflag:s31], $0x1C00  }
0x5b: {  	[sflag:s31] =	ssyncset.done $0x0  }
0x5c: {  	s30 =	simm.s32 $0x230;
	[sflag:s31] =	ssyncadd.s32 $0xFFFFE400  }
0x5d: {  	[tilespmem:s18], [sflag:$0x3] =	stream.indirect.gather [hbm4b:s2+s14], $0x80, s30, s14, $0xb8;
	[tilespmem:$0x1FAC0] =	vst v63  }
0x5e: {  	_ =	swait.ge [sflag:s1], $0x1C00  }
0x5f: {  	[sflag:s1] =	ssyncset.done $0x0  }
0x60: {  	s28 =	simm.s32 $0x28E8;
	s25 =	simm.s32 $0x380;
	[sflag:s1] =	ssyncadd.s32 $0xFFFFE400  }
.LBB2_2:
0x61: {  	[spmem:s3] =	stream.indirect.scatter.add.f32 [tilespmem:s20], [sflag:$0x8], $0x80, s28, s14, $0xb8;
	[tilespmem:$0x1FAC0] =	vst v63  }
0x62: {  	s28 =	smov.u32 s25;
	s25 =	sadd.s32 $0x380, s25;
	_ =	swait.ge [sflag:s19], $0x1C00  }
0x63: {  	s28 =	sshra.s32 s28, $0x2;
	p0 =	sne.s32 s25, $0x9680;
	[sflag:s19] =	ssyncset.done $0x0  }
0x64: {  	s30 =	sadd.s32 $0x188, s28;
	[sflag:s19] =	ssyncadd.s32 $0xFFFFE400  }
0x65: {  	[tilespmem:s20], [sflag:$0x4] =	stream.indirect.gather [hbm4b:s2+s14], $0x80, s30, s14, $0xb8;
	[tilespmem:$0x1FAC0] =	vst v63  }
0x66: {  	_ =	swait.ge [sflag:s21], $0x1C00  }
0x67: {  	[sflag:s21] =	ssyncset.done $0x0  }
0x68: {  	s30 =	sadd.s32 $0x2840, s28;
	[sflag:s21] =	ssyncadd.s32 $0xFFFFE400  }
0x69: {  	[spmem:s3] =	stream.indirect.scatter.add.f32 [tilespmem:s15], [sflag:$0x5], $0x80, s30, s14, $0xb8;
	[tilespmem:$0x1FAC0] =	vst v63  }
0x6a: {  	_ =	swait.ge [sflag:s22], $0x1C00  }
0x6b: {  	[sflag:s22] =	ssyncset.done $0x0  }
0x6c: {  	s30 =	sadd.s32 $0x1C0, s28;
	[sflag:s22] =	ssyncadd.s32 $0xFFFFE400  }
0x6d: {  	[tilespmem:s15], [sflag:$0x1] =	stream.indirect.gather [hbm4b:s2+s14], $0x80, s30, s14, $0xb8;
	[tilespmem:$0x1FAC0] =	vst v63  }
0x6e: {  	_ =	swait.ge [sflag:s24], $0x1C00  }
0x6f: {  	[sflag:s24] =	ssyncset.done $0x0  }
0x70: {  	s30 =	sadd.s32 $0x2878, s28;
	[sflag:s24] =	ssyncadd.s32 $0xFFFFE400  }
0x71: {  	[spmem:s3] =	stream.indirect.scatter.add.f32 [tilespmem:s16], [sflag:$0x6], $0x80, s30, s14, $0xb8;
	[tilespmem:$0x1FAC0] =	vst v63  }
0x72: {  	_ =	swait.ge [sflag:s26], $0x1C00  }
0x73: {  	[sflag:s26] =	ssyncset.done $0x0  }
0x74: {  	s30 =	sadd.s32 $0x1F8, s28;
	[sflag:s26] =	ssyncadd.s32 $0xFFFFE400  }
0x75: {  	[tilespmem:s16], [sflag:$0x2] =	stream.indirect.gather [hbm4b:s2+s14], $0x80, s30, s14, $0xb8;
	[tilespmem:$0x1FAC0] =	vst v63  }
0x76: {  	_ =	swait.ge [sflag:s29], $0x1C00  }
0x77: {  	[sflag:s29] =	ssyncset.done $0x0  }
0x78: {  	s30 =	sadd.s32 $0x28B0, s28;
	[sflag:s29] =	ssyncadd.s32 $0xFFFFE400  }
0x79: {  	[spmem:s3] =	stream.indirect.scatter.add.f32 [tilespmem:s18], [sflag:$0x7], $0x80, s30, s14, $0xb8;
	[tilespmem:$0x1FAC0] =	vst v63  }
0x7a: {  	_ =	swait.ge [sflag:s31], $0x1C00  }
0x7b: {  	[sflag:s31] =	ssyncset.done $0x0  }
.Ltmp0:
0x7c: {  	s30 =	sadd.s32 $0x230, s28;
	[sflag:s31] =	ssyncadd.s32 $0xFFFFE400;
	(pc) =	sbr.rel @p0 .LBB2_2-.Ltmp0, $4  }
0x7d: {  	[tilespmem:s18], [sflag:$0x3] =	stream.indirect.gather [hbm4b:s2+s14], $0x80, s30, s14, $0xb8;
	[tilespmem:$0x1FAC0] =	vst v63  }
0x7e: {  	_ =	swait.ge [sflag:s1], $0x1C00  }
0x7f: {  	[sflag:s1] =	ssyncset.done $0x0  }
0x80: {  	s28 =	sadd.s32 $0x28E8, s28;
	[sflag:s1] =	ssyncadd.s32 $0xFFFFE400  }
0x81: {  	[spmem:s3] =	stream.indirect.scatter.add.f32 [tilespmem:s20], [sflag:$0x8], $0x80, s28, s14, $0xb8;
	[tilespmem:$0x1FAC0] =	vst v63  }
0x82: {  	_ =	swait.ge [sflag:s19], $0x1C00  }
0x83: {  	s25 =	sshra.s32 s25, $0x2;
	[sflag:s19] =	ssyncset.done $0x0  }
0x84: {  	s30 =	sadd.s32 $0x188, s25;
	[sflag:s19] =	ssyncadd.s32 $0xFFFFE400  }
0x85: {  	[tilespmem:s20], [sflag:$0x4] =	stream.indirect.gather [hbm4b:s2+s14], $0x80, s30, s14, $0xb8;
	[tilespmem:$0x1FAC0] =	vst v63  }
0x86: {  	_ =	swait.ge [sflag:s21], $0x1C00  }
0x87: {  	[sflag:s21] =	ssyncset.done $0x0  }
0x88: {  	s30 =	sadd.s32 $0x2840, s25;
	[sflag:s21] =	ssyncadd.s32 $0xFFFFE400  }
0x89: {  	[spmem:s3] =	stream.indirect.scatter.add.f32 [tilespmem:s15], [sflag:$0x5], $0x80, s30, s14, $0xb8;
	[tilespmem:$0x1FAC0] =	vst v63  }
0x8a: {  	_ =	swait.ge [sflag:s24], $0x1C00  }
0x8b: {  	[sflag:s24] =	ssyncset.done $0x0  }
0x8c: {  	s30 =	sadd.s32 $0x2878, s25;
	[sflag:s24] =	ssyncadd.s32 $0xFFFFE400  }
0x8d: {  	[spmem:s3] =	stream.indirect.scatter.add.f32 [tilespmem:s16], [sflag:$0x6], $0x80, s30, s14, $0xb8;
	[tilespmem:$0x1FAC0] =	vst v63  }
0x8e: {  	_ =	swait.ge [sflag:s29], $0x1C00  }
0x8f: {  	[sflag:s29] =	ssyncset.done $0x0  }
0x90: {  	s30 =	sadd.s32 $0x28B0, s25;
	[sflag:s29] =	ssyncadd.s32 $0xFFFFE400  }
0x91: {  	[spmem:s3] =	stream.indirect.scatter.add.f32 [tilespmem:s18], [sflag:$0x7], $0x80, s30, s14, $0xb8;
	[tilespmem:$0x1FAC0] =	vst v63  }
0x92: {  	_ =	swait.ge [sflag:s1], $0x1C00  }
0x93: {  	[sflag:s1] =	ssyncset.done $0x0  }
0x94: {  	s25 =	sadd.s32 $0x28E8, s25;
	[sflag:s1] =	ssyncadd.s32 $0xFFFFE400  }
0x95: {  	[spmem:s3] =	stream.indirect.scatter.add.f32 [tilespmem:s20], [sflag:$0x8], $0x80, s25, s14, $0xb8;
	[tilespmem:$0x1FAC0] =	vst v63  }
0x96: {  	_ =	swait.ge [sflag:s22], $0x1C00  }
0x97: {  	[sflag:s22] =	ssyncset.done $0x0  }
0x98: {  	[sflag:s22] =	ssyncadd.s32 $0xFFFFE400  }
0x99: {  	_ =	swait.ge [sflag:s26], $0x1C00  }
0x9a: {  	[sflag:s26] =	ssyncset.done $0x0  }
0x9b: {  	[sflag:s26] =	ssyncadd.s32 $0xFFFFE400  }
0x9c: {  	_ =	swait.ge [sflag:s31], $0x1C00  }
0x9d: {  	[sflag:s31] =	ssyncset.done $0x0  }
0x9e: {  	[sflag:s31] =	ssyncadd.s32 $0xFFFFE400  }
0x9f: {  	_ =	swait.ge [sflag:s19], $0x1C00  }
0xa0: {  	s23 =	sadd.s32 $0x1, s23;
	[sflag:s19] =	ssyncset.done $0x0  }
0xa1: {  	p0 =	sne.s32 s23, s9;
	[sflag:s19] =	ssyncadd.s32 $0xFFFFE400  }
.Ltmp1:
0xa2: {  	[bflag:$0x0] =	sbarrier.arrive $0xFFFF;
	(pc) =	sbr.rel @p0 .LBB2_1-.Ltmp1, $4  }
0xa3: {  	[hbm:s8], [sflag:s12] =	dma.local [spmem:s13], $0x2780  }
0xa4: {  	_ =	swait.ge [sflag:s10], $0x2780  }
0xa5: {  	[sflag:s10] =	ssyncset.done $0x0  }
0xa6: {  	[sflag:s10] =	ssyncadd.s32 $0xFFFFD880  }
0xa7: {  	_ =	sfence.sel $0x180000  }
0xa8: {  	[bflag:$0x0] =	sbarrier.arrive $0xFFFF  }
0xa9: {  	_ =	strace $0x90000047  }
0xaa: {  	s0 =	stileid.u32;
	[bflag:$0x2] =	sbarrier.arrive $0xFFFF  }
0xab: {  	p0 =	sne.s32 s0, $0x0;
	s0 =	rddreg [dreg:$0x3]  }
0xac: {  	s0 =	sadd.s32 @!p0 $0x100000, s0  }
0xad: {  	[sflag:s0] =	ssyncadd.tile.s32 @!p0 $0x1;
	_ =	shalt  }
.Lfunc_end2:
_tile_overlayer_lowered:
.L_overlay_start_2:
0xae: {  	(tag) =	ssettag $0x2  }
0xaf: {  	s0 =	rddreg [dreg:$0x0];
	s2 =	stileid.u32  }
0xb0: {  	s1 =	rddreg [dreg:$0x1];
	p0 =	sne.s32 s2, $0x0  }
0xb1: {  	s3 =	rddreg [dreg:$0x2];
	[bflag:$0x3] =	sbarrier.arrive $0xFFFF;
	s2 =	simm.s32 @!p0 $0x1C09  }
0xb2: {  	[timem:s3], [sflag:s2] =	dma.local @!p0 [hbm:s0], s1  }
0xb3: {  	s0 =	simm.s32 @!p0 $0x9  }
0xb4: {  	_ =	swait.ge @!p0 [sflag:s0], s1  }
0xb5: {  	s1 =	ssub.s32 @!p0 $0x0, s1;
	[sflag:s0] =	ssyncset.done @!p0 $0x0  }
0xb6: {  	[sflag:s0] =	ssyncadd.s32 @!p0 s1  }
0xb7: {  	[bflag:$0x3] =	sbarrier.arrive $0xFFFF  }
0xb8: {  	_ =	shalt  }

</sc_bundles>
